<compile_context>
chip_gen: v7x
topology: tpu7x:2x2x1
jax: 0.10.2.dev20260603
libtpu: 0.0.44.dev20260713+nightly
codegen_flags: <defaults>
</compile_context>

<pallas_src>
import functools

import jax
import jax.numpy as jnp
from jax import lax
from jax.experimental import pallas as pl
from jax.experimental.pallas import tpu as pltpu
from jax.experimental.pallas import tpu_sc as plsc

T, D, E, H = 8192, 768, 16, 128
TB = 1024
B = 512
NB = T // B
G = NB + E
NC, NS = 2, 16
NW = NC * NS
PW = T // NW
CH = 128


def _gate_body(x_ref, wg_ref, bg_ref, eidx_ref, rank_ref, cnt_ref, off_ref,
               tm_ref, te_ref, ts_ref, tn_ref, fst_ref, acc_ref):
    i = pl.program_id(0)

    @pl.when(i == 0)
    def _():
        acc_ref[...] = jnp.zeros_like(acc_ref)

    logits = lax.dot_general(
        x_ref[...], wg_ref[...], (((1,), (1,)), ((), ())),
        preferred_element_type=jnp.float32,
    ) + bg_ref[...]
    m = jnp.max(logits, axis=1, keepdims=True)
    iota_e = lax.broadcasted_iota(jnp.int32, (TB, E), 1)
    eidx = jnp.min(jnp.where(logits == m, iota_e, E), axis=1, keepdims=True)
    onehot = (iota_e == eidx).astype(jnp.float32)

    prev = acc_ref[...]
    rank_prev = jnp.sum(onehot * prev, axis=1, keepdims=True)
    r_iota = lax.broadcasted_iota(jnp.int32, (TB, TB), 0)
    c_iota = lax.broadcasted_iota(jnp.int32, (TB, TB), 1)
    tri = (c_iota < r_iota).astype(jnp.float32)
    cnt_in = lax.dot_general(
        tri, onehot, (((1,), (0,)), ((), ())),
        preferred_element_type=jnp.float32,
    )
    rank_in = jnp.sum(cnt_in * onehot, axis=1, keepdims=True)

    eidx_ref[...] = eidx
    rank_ref[...] = (rank_prev + rank_in).astype(jnp.int32)
    new = prev + jnp.sum(onehot, axis=0, keepdims=True)
    acc_ref[...] = new
    cnt_ref[...] = new.astype(jnp.int32)
    r16 = lax.broadcasted_iota(jnp.int32, (E, E), 0)
    c16 = lax.broadcasted_iota(jnp.int32, (E, E), 1)
    upper = (r16 < c16).astype(jnp.float32)
    offs_f = lax.dot_general(
        new, upper, (((1,), (0,)), ((), ())),
        preferred_element_type=jnp.float32,
        precision=lax.Precision.HIGHEST,
    )
    off_ref[...] = offs_f.astype(jnp.int32)

    fB = float(B)
    m_first = jnp.floor(offs_f / fB)
    m_last = jnp.floor((offs_f + new - 1.0) / fB)
    n_e = jnp.where(new > 0.0, m_last - m_first + 1.0, 0.0)
    upper_eq = (r16 <= c16).astype(jnp.float32)
    start_inc = lax.dot_general(
        n_e, upper_eq, (((1,), (0,)), ((), ())),
        preferred_element_type=jnp.float32,
    )
    start_exc = start_inc - n_e
    total = start_inc[:, E - 1:E]
    ii = lax.broadcasted_iota(jnp.int32, (G, 1), 0).astype(jnp.float32)
    iota_ge = lax.broadcasted_iota(jnp.int32, (G, E), 0).astype(jnp.float32)
    tile_e = jnp.sum((iota_ge >= start_inc).astype(jnp.float32),
                     axis=1, keepdims=True)
    valid = ii < total
    tile_e = jnp.where(valid, jnp.minimum(tile_e, E - 1.0), E - 1.0)
    onehot_te = (lax.broadcasted_iota(jnp.int32, (G, E), 1).astype(jnp.float32)
                 == tile_e).astype(jnp.float32)
    m_first_g = jnp.sum(onehot_te * m_first, axis=1, keepdims=True)
    start_g = jnp.sum(onehot_te * start_exc, axis=1, keepdims=True)
    offs_g = jnp.sum(onehot_te * offs_f, axis=1, keepdims=True)
    offe_g = jnp.sum(onehot_te * (offs_f + new), axis=1, keepdims=True)
    tile_m = jnp.where(valid, m_first_g + (ii - start_g), NB - 1.0)
    ts = jnp.where(valid, jnp.maximum(offs_g, tile_m * fB), 0.0)
    tn = jnp.where(valid, jnp.minimum(offe_g, (tile_m + 1.0) * fB), 0.0)
    fst = (ts == tile_m * fB).astype(jnp.int32)
    tm_ref[...] = tile_m.astype(jnp.int32)
    te_ref[...] = tile_e.astype(jnp.int32)
    ts_ref[...] = ts.astype(jnp.int32)
    tn_ref[...] = tn.astype(jnp.int32)
    fst_ref[...] = fst


_gate = pl.pallas_call(
    _gate_body,
    grid=(T // TB,),
    in_specs=[
        pl.BlockSpec((TB, D), lambda i: (i, 0)),
        pl.BlockSpec((E, D), lambda i: (0, 0)),
        pl.BlockSpec((1, E), lambda i: (0, 0)),
    ],
    out_specs=[
        pl.BlockSpec((TB, 1), lambda i: (i, 0)),
        pl.BlockSpec((TB, 1), lambda i: (i, 0)),
        pl.BlockSpec((1, E), lambda i: (0, 0)),
        pl.BlockSpec((1, E), lambda i: (0, 0)),
        pl.BlockSpec((G, 1), lambda i: (0, 0)),
        pl.BlockSpec((G, 1), lambda i: (0, 0)),
        pl.BlockSpec((G, 1), lambda i: (0, 0)),
        pl.BlockSpec((G, 1), lambda i: (0, 0)),
        pl.BlockSpec((G, 1), lambda i: (0, 0)),
    ],
    out_shape=[
        jax.ShapeDtypeStruct((T, 1), jnp.int32),
        jax.ShapeDtypeStruct((T, 1), jnp.int32),
        jax.ShapeDtypeStruct((1, E), jnp.int32),
        jax.ShapeDtypeStruct((1, E), jnp.int32),
        jax.ShapeDtypeStruct((G, 1), jnp.int32),
        jax.ShapeDtypeStruct((G, 1), jnp.int32),
        jax.ShapeDtypeStruct((G, 1), jnp.int32),
        jax.ShapeDtypeStruct((G, 1), jnp.int32),
        jax.ShapeDtypeStruct((G, 1), jnp.int32),
    ],
    scratch_shapes=[pltpu.VMEM((1, E), jnp.float32)],
)


@functools.lru_cache(maxsize=None)
def _make_sc_dispatch():
    mesh = plsc.VectorSubcoreMesh(core_axis_name="c", subcore_axis_name="s",
                                  num_cores=NC, num_subcores=NS)

    @functools.partial(
        pl.kernel,
        out_type=[
            jax.ShapeDtypeStruct((T, D), jnp.float32),
            jax.ShapeDtypeStruct((T,), jnp.int32),
        ],
        mesh=mesh,
        scratch_types=[
            pltpu.VMEM((E,), jnp.int32),
            pltpu.VMEM((CH,), jnp.int32),
            pltpu.VMEM((CH,), jnp.int32),
            pltpu.VMEM((CH, D), jnp.float32),
            pltpu.SemaphoreType.DMA,
        ],
        compiler_params=pltpu.CompilerParams(needs_layout_passes=False),
    )
    def _sc_dispatch(x_hbm, e_hbm, r_hbm, off_hbm, xs_hbm, p_hbm,
                     off_v, e_v, p_v, rows_v, sem):
        wid = lax.axis_index("s") * NC + lax.axis_index("c")
        base = wid * PW
        pltpu.sync_copy(off_hbm, off_v)
        for c in range(PW // CH):
            cbase = base + c * CH
            pltpu.sync_copy(e_hbm.at[pl.ds(cbase, CH)], e_v)
            pltpu.sync_copy(r_hbm.at[pl.ds(cbase, CH)], p_v)
            for j in range(CH // 16):
                sl = pl.ds(j * 16, 16)
                p_v[sl] = p_v[sl] + plsc.load_gather(off_v, [e_v[sl]])
            pltpu.sync_copy(x_hbm.at[pl.ds(cbase, CH)], rows_v)
            desc = pltpu.async_copy(rows_v, xs_hbm.at[p_v], sem)
            pltpu.sync_copy(p_v, p_hbm.at[pl.ds(cbase, CH)])
            desc.wait()

    return _sc_dispatch


def _mlp_body(tm_ref, te_ref, ts_ref, tn_ref, first_ref,
              xs_ref, w1_ref, b1_ref, w2_ref, b2_ref, w3_ref, out_ref):
    i = pl.program_id(0)
    h1 = jnp.maximum(
        lax.dot_general(
            xs_ref[...], w1_ref[0], (((1,), (1,)), ((), ())),
            preferred_element_type=jnp.float32,
        ) + b1_ref[0], 0.0)
    h2 = jnp.maximum(
        lax.dot_general(
            h1, w2_ref[0], (((1,), (1,)), ((), ())),
            preferred_element_type=jnp.float32,
        ) + b2_ref[0], 0.0)
    o = jnp.sum(h2 * w3_ref[0], axis=1, keepdims=True)
    gidx = tm_ref[i] * B + lax.broadcasted_iota(jnp.int32, (B, 1), 0)
    val = jnp.where((gidx >= ts_ref[i]) & (gidx < tn_ref[i]), o, 0.0)

    @pl.when(first_ref[i] != 0)
    def _():
        out_ref[...] = val

    @pl.when(first_ref[i] == 0)
    def _():
        out_ref[...] = out_ref[...] + val


_mlp = pl.pallas_call(
    _mlp_body,
    grid_spec=pltpu.PrefetchScalarGridSpec(
        num_scalar_prefetch=5,
        grid=(G,),
        in_specs=[
            pl.BlockSpec((B, D), lambda i, *r: (r[0][i], 0)),
            pl.BlockSpec((1, H, D), lambda i, *r: (r[1][i], 0, 0)),
            pl.BlockSpec((1, 1, H), lambda i, *r: (r[1][i], 0, 0)),
            pl.BlockSpec((1, H, H), lambda i, *r: (r[1][i], 0, 0)),
            pl.BlockSpec((1, 1, H), lambda i, *r: (r[1][i], 0, 0)),
            pl.BlockSpec((1, 1, H), lambda i, *r: (r[1][i], 0, 0)),
        ],
        out_specs=pl.BlockSpec((B, 1), lambda i, *r: (r[0][i], 0)),
    ),
    out_shape=jax.ShapeDtypeStruct((T, 1), jnp.float32),
)


@functools.lru_cache(maxsize=None)
def _make_sc_combine():
    mesh = plsc.VectorSubcoreMesh(core_axis_name="c", subcore_axis_name="s",
                                  num_cores=NC, num_subcores=NS)

    @functools.partial(
        pl.kernel,
        out_type=jax.ShapeDtypeStruct((T,), jnp.float32),
        mesh=mesh,
        scratch_types=[
            pltpu.VMEM((T,), jnp.float32),
            pltpu.VMEM((E,), jnp.float32),
            pltpu.VMEM((PW,), jnp.int32),
            pltpu.VMEM((PW,), jnp.int32),
            pltpu.VMEM((PW,), jnp.float32),
        ],
        compiler_params=pltpu.CompilerParams(needs_layout_passes=False),
    )
    def _sc_combine(o_hbm, p_hbm, e_hbm, b3_hbm, out_hbm,
                    o_v, b3_v, p_v, e_v, res_v):
        wid = lax.axis_index("s") * NC + lax.axis_index("c")
        base = wid * PW
        pltpu.sync_copy(o_hbm, o_v)
        pltpu.sync_copy(b3_hbm, b3_v)
        pltpu.sync_copy(p_hbm.at[pl.ds(base, PW)], p_v)
        pltpu.sync_copy(e_hbm.at[pl.ds(base, PW)], e_v)
        for j in range(PW // 16):
            sl = pl.ds(j * 16, 16)
            res_v[sl] = (plsc.load_gather(o_v, [p_v[sl]])
                         + plsc.load_gather(b3_v, [e_v[sl]]))
        pltpu.sync_copy(res_v, out_hbm.at[pl.ds(base, PW)])

    return _sc_combine


def kernel(x, Wg, bg, W1, b1, W2, b2, W3, b3):
    (eidx, rank, _counts, offs,
     tile_m, tile_e, ts, tn, first) = _gate(x, Wg, bg.reshape(1, E))
    e_flat = eidx.reshape(T)
    xs, p = _make_sc_dispatch()(x, e_flat, rank.reshape(T), offs.reshape(E))
    o = _mlp(tile_m.reshape(G), tile_e.reshape(G), ts.reshape(G),
             tn.reshape(G), first.reshape(G),
             xs, W1, b1.reshape(E, 1, H), W2, b2.reshape(E, 1, H), W3)
    out = _make_sc_combine()(o.reshape(T), p, e_flat, b3.reshape(E))
    return out.reshape(T, 1)

# --- scband reference (transcript-rebuilt; emitter-appended) ---
"""Pipeline reference for scband-mo-e-mlp-1657857376802 (READ-ONLY COPY).

The authoritative reference and input builder live on the scoring server;
editing this copy changes nothing except your own understanding.
"""

import jax, jax.numpy as jnp
import numpy as np

INPUT_DIM = 768
N_EXPERTS = 16
EXPERT_DIM = 128
TOKENS = 8192


def setup_inputs(seed: int = 0) -> dict:
    key = jax.random.key(seed)
    ks = jax.random.split(key, 10)
    x = jax.random.normal(ks[0], (TOKENS, INPUT_DIM), dtype=jnp.float32)
    s_in = 1.0 / np.sqrt(INPUT_DIM)
    s_h = 1.0 / np.sqrt(EXPERT_DIM)
    # gate: nn.Linear(input_dim, n_experts)
    Wg = jax.random.uniform(ks[1], (N_EXPERTS, INPUT_DIM), minval=-s_in, maxval=s_in, dtype=jnp.float32)
    bg = jax.random.uniform(ks[2], (N_EXPERTS,), minval=-s_in, maxval=s_in, dtype=jnp.float32)
    # per-expert MLP stacked: Linear(d,h) -> ReLU -> Linear(h,h) -> ReLU -> Linear(h,1)
    # torch Linear weight layout is [out, in]
    W1 = jax.random.uniform(ks[3], (N_EXPERTS, EXPERT_DIM, INPUT_DIM), minval=-s_in, maxval=s_in, dtype=jnp.float32)
    b1 = jax.random.uniform(ks[4], (N_EXPERTS, EXPERT_DIM), minval=-s_in, maxval=s_in, dtype=jnp.float32)
    W2 = jax.random.uniform(ks[5], (N_EXPERTS, EXPERT_DIM, EXPERT_DIM), minval=-s_h, maxval=s_h, dtype=jnp.float32)
    b2 = jax.random.uniform(ks[6], (N_EXPERTS, EXPERT_DIM), minval=-s_h, maxval=s_h, dtype=jnp.float32)
    W3 = jax.random.uniform(ks[7], (N_EXPERTS, 1, EXPERT_DIM), minval=-s_h, maxval=s_h, dtype=jnp.float32)
    b3 = jax.random.uniform(ks[8], (N_EXPERTS, 1), minval=-s_h, maxval=s_h, dtype=jnp.float32)
    return {"x": x, "Wg": Wg, "bg": bg, "W1": W1, "b1": b1, "W2": W2, "b2": b2, "W3": W3, "b3": b3}


def reference(x, Wg, bg, W1, b1, W2, b2, W3, b3):
    # gate -> hard top-1 routing (argmax)
    gate_logits = x @ Wg.T + bg                      # [T, E]
    expert_idx = jnp.argmax(gate_logits, axis=1)     # [T]
    # compute every expert on all tokens (mathematically identical to the
    # masked per-expert dispatch in the torch code), then gather the routed
    # expert's output for each token.
    h1 = jax.nn.relu(jnp.einsum('td,ehd->eth', x, W1) + b1[:, None, :])     # [E, T, H]
    h2 = jax.nn.relu(jnp.einsum('eth,ekh->etk', h1, W2) + b2[:, None, :])   # [E, T, H]
    o = jnp.einsum('eth,ekh->etk', h2, W3) + b3[:, None, :]                 # [E, T, 1]
    out = o[expert_idx, jnp.arange(o.shape[1])]                              # [T, 1] gather by routed expert
    return out

if __name__ == "__main__":
    import jax
    _d = setup_inputs()
    print(jax.jit(kernel)(*tuple(_d.values())))

</pallas_src>

<mosaic_0001>
#map = affine_map<(d0, d1) -> (0)>
module attributes {stable_mosaic.version = 14 : i64} {
  func.func @_sc_combine(%arg0: i32, %arg1: i32, %arg2: memref<8192xf32, #tpu.memory_space<hbm>>, %arg3: memref<8192xi32, #tpu.memory_space<hbm>>, %arg4: memref<8192xi32, #tpu.memory_space<hbm>>, %arg5: memref<16xf32, #tpu.memory_space<hbm>>, %arg6: memref<8192xf32, #tpu.memory_space<hbm>>, %arg7: memref<8192xf32, #tpu.memory_space<vmem>>, %arg8: memref<16xf32, #tpu.memory_space<vmem>>, %arg9: memref<256xi32, #tpu.memory_space<vmem>>, %arg10: memref<256xi32, #tpu.memory_space<vmem>>, %arg11: memref<256xf32, #tpu.memory_space<vmem>>) attributes {dimension_semantics = [#tpu.dimension_semantics<core_parallel>, #tpu.dimension_semantics<subcore_parallel>], iteration_bounds = array<i64: 2, 16>, scalar_prefetch = 0 : i64, scratch_operands = 5 : i64, tpu.core_type = #tpu.core_type<sc_vector_subcore>, window_params = [{transform_indices = #map}, {transform_indices = #map}, {transform_indices = #map}, {transform_indices = #map}, {transform_indices = #map}]} {
    %mul3A = arith.constant 2 : i32
    %mul3A_0 = arith.muli %arg1, %mul3A : i32
    %add3A = arith.addi %mul3A_0, %arg0 : i32
    %mul3A_1 = arith.constant 256 : i32
    %mul3A_2 = arith.muli %add3A, %mul3A_1 : i32
    "tpu.region"() ({
      %run_scoped3A = tpu.sem_alloc : memref<!tpu.dma_semaphore, #tpu.memory_space<semaphore_mem>>
      tpu.enqueue_dma source(%arg2 : memref<8192xf32, #tpu.memory_space<hbm>>) target(%arg7 : memref<8192xf32, #tpu.memory_space<vmem>>) target_semaphore(%run_scoped3A : memref<!tpu.dma_semaphore, #tpu.memory_space<semaphore_mem>>)
      tpu.wait_dma2 semaphore(%run_scoped3A : memref<!tpu.dma_semaphore, #tpu.memory_space<semaphore_mem>>) src(%arg2 : memref<8192xf32, #tpu.memory_space<hbm>>) dst(%arg7 : memref<8192xf32, #tpu.memory_space<vmem>>)
      tpu.yield
    }) : () -> ()
    "tpu.region"() ({
      %run_scoped3A = tpu.sem_alloc : memref<!tpu.dma_semaphore, #tpu.memory_space<semaphore_mem>>
      tpu.enqueue_dma source(%arg5 : memref<16xf32, #tpu.memory_space<hbm>>) target(%arg8 : memref<16xf32, #tpu.memory_space<vmem>>) target_semaphore(%run_scoped3A : memref<!tpu.dma_semaphore, #tpu.memory_space<semaphore_mem>>)
      tpu.wait_dma2 semaphore(%run_scoped3A : memref<!tpu.dma_semaphore, #tpu.memory_space<semaphore_mem>>) src(%arg5 : memref<16xf32, #tpu.memory_space<hbm>>) dst(%arg8 : memref<16xf32, #tpu.memory_space<vmem>>)
      tpu.yield
    }) : () -> ()
    "tpu.region"() ({
      %run_scoped3A = tpu.sem_alloc : memref<!tpu.dma_semaphore, #tpu.memory_space<semaphore_mem>>
      %dma_start3A = tpu.memref_slice %arg3[%mul3A_2] : memref<8192xi32, #tpu.memory_space<hbm>> -> memref<256xi32, #tpu.memory_space<hbm>>
      %dma_start3A_144 = tpu.memref_slice %arg3[%mul3A_2] : memref<8192xi32, #tpu.memory_space<hbm>> -> memref<256xi32, #tpu.memory_space<hbm>>
      tpu.enqueue_dma source(%dma_start3A_144 : memref<256xi32, #tpu.memory_space<hbm>>) target(%arg9 : memref<256xi32, #tpu.memory_space<vmem>>) target_semaphore(%run_scoped3A : memref<!tpu.dma_semaphore, #tpu.memory_space<semaphore_mem>>)
      %dma_wait3A = tpu.memref_slice %arg3[%mul3A_2] : memref<8192xi32, #tpu.memory_space<hbm>> -> memref<256xi32, #tpu.memory_space<hbm>>
      %dma_wait3A_145 = tpu.memref_slice %arg3[%mul3A_2] : memref<8192xi32, #tpu.memory_space<hbm>> -> memref<256xi32, #tpu.memory_space<hbm>>
      tpu.wait_dma2 semaphore(%run_scoped3A : memref<!tpu.dma_semaphore, #tpu.memory_space<semaphore_mem>>) src(%dma_wait3A_145 : memref<256xi32, #tpu.memory_space<hbm>>) dst(%arg9 : memref<256xi32, #tpu.memory_space<vmem>>)
      tpu.yield
    }) : () -> ()
    "tpu.region"() ({
      %run_scoped3A = tpu.sem_alloc : memref<!tpu.dma_semaphore, #tpu.memory_space<semaphore_mem>>
      %dma_start3A = tpu.memref_slice %arg4[%mul3A_2] : memref<8192xi32, #tpu.memory_space<hbm>> -> memref<256xi32, #tpu.memory_space<hbm>>
      %dma_start3A_144 = tpu.memref_slice %arg4[%mul3A_2] : memref<8192xi32, #tpu.memory_space<hbm>> -> memref<256xi32, #tpu.memory_space<hbm>>
      tpu.enqueue_dma source(%dma_start3A_144 : memref<256xi32, #tpu.memory_space<hbm>>) target(%arg10 : memref<256xi32, #tpu.memory_space<vmem>>) target_semaphore(%run_scoped3A : memref<!tpu.dma_semaphore, #tpu.memory_space<semaphore_mem>>)
      %dma_wait3A = tpu.memref_slice %arg4[%mul3A_2] : memref<8192xi32, #tpu.memory_space<hbm>> -> memref<256xi32, #tpu.memory_space<hbm>>
      %dma_wait3A_145 = tpu.memref_slice %arg4[%mul3A_2] : memref<8192xi32, #tpu.memory_space<hbm>> -> memref<256xi32, #tpu.memory_space<hbm>>
      tpu.wait_dma2 semaphore(%run_scoped3A : memref<!tpu.dma_semaphore, #tpu.memory_space<semaphore_mem>>) src(%dma_wait3A_145 : memref<256xi32, #tpu.memory_space<hbm>>) dst(%arg10 : memref<256xi32, #tpu.memory_space<vmem>>)
      tpu.yield
    }) : () -> ()
    %get3A = arith.constant 0 : index
    %get3A_3 = tpu.vector_load %arg9[%get3A] {strides = array<i32>} : memref<256xi32, #tpu.memory_space<vmem>>, vector<16xi32>,
    %gather3A = tpu.vector_load_idx %arg7[%get3A_3] : memref<8192xf32, #tpu.memory_space<vmem>>[vector<16xi32>], vector<16xf32>,
    %get3A_4 = arith.constant 0 : index
    %get3A_5 = tpu.vector_load %arg10[%get3A_4] {strides = array<i32>} : memref<256xi32, #tpu.memory_space<vmem>>, vector<16xi32>,
    %gather3A_6 = tpu.vector_load_idx %arg8[%get3A_5] : memref<16xf32, #tpu.memory_space<vmem>>[vector<16xi32>], vector<16xf32>,
    %add3A_7 = arith.addf %gather3A, %gather3A_6 : vector<16xf32>
    %swap3A = arith.constant 0 : index
    %swap3A_8 = tpu.vector_load %arg11[%swap3A] {strides = array<i32>} : memref<256xf32, #tpu.memory_space<vmem>>, vector<16xf32>,
    tpu.vector_store %arg11[%swap3A], %add3A_7 {strides = array<i32>} : memref<256xf32, #tpu.memory_space<vmem>>, vector<16xf32>,
    %get3A_9 = arith.constant 16 : index
    %get3A_10 = tpu.vector_load %arg9[%get3A_9] {strides = array<i32>} : memref<256xi32, #tpu.memory_space<vmem>>, vector<16xi32>,
    %gather3A_11 = tpu.vector_load_idx %arg7[%get3A_10] : memref<8192xf32, #tpu.memory_space<vmem>>[vector<16xi32>], vector<16xf32>,
    %get3A_12 = arith.constant 16 : index
    %get3A_13 = tpu.vector_load %arg10[%get3A_12] {strides = array<i32>} : memref<256xi32, #tpu.memory_space<vmem>>, vector<16xi32>,
    %gather3A_14 = tpu.vector_load_idx %arg8[%get3A_13] : memref<16xf32, #tpu.memory_space<vmem>>[vector<16xi32>], vector<16xf32>,
    %add3A_15 = arith.addf %gather3A_11, %gather3A_14 : vector<16xf32>
    %swap3A_16 = arith.constant 16 : index
    %swap3A_17 = tpu.vector_load %arg11[%swap3A_16] {strides = array<i32>} : memref<256xf32, #tpu.memory_space<vmem>>, vector<16xf32>,
    tpu.vector_store %arg11[%swap3A_16], %add3A_15 {strides = array<i32>} : memref<256xf32, #tpu.memory_space<vmem>>, vector<16xf32>,
    %get3A_18 = arith.constant 32 : index
    %get3A_19 = tpu.vector_load %arg9[%get3A_18] {strides = array<i32>} : memref<256xi32, #tpu.memory_space<vmem>>, vector<16xi32>,
    %gather3A_20 = tpu.vector_load_idx %arg7[%get3A_19] : memref<8192xf32, #tpu.memory_space<vmem>>[vector<16xi32>], vector<16xf32>,
    %get3A_21 = arith.constant 32 : index
    %get3A_22 = tpu.vector_load %arg10[%get3A_21] {strides = array<i32>} : memref<256xi32, #tpu.memory_space<vmem>>, vector<16xi32>,
    %gather3A_23 = tpu.vector_load_idx %arg8[%get3A_22] : memref<16xf32, #tpu.memory_space<vmem>>[vector<16xi32>], vector<16xf32>,
    %add3A_24 = arith.addf %gather3A_20, %gather3A_23 : vector<16xf32>
    %swap3A_25 = arith.constant 32 : index
    %swap3A_26 = tpu.vector_load %arg11[%swap3A_25] {strides = array<i32>} : memref<256xf32, #tpu.memory_space<vmem>>, vector<16xf32>,
    tpu.vector_store %arg11[%swap3A_25], %add3A_24 {strides = array<i32>} : memref<256xf32, #tpu.memory_space<vmem>>, vector<16xf32>,
    %get3A_27 = arith.constant 48 : index
    %get3A_28 = tpu.vector_load %arg9[%get3A_27] {strides = array<i32>} : memref<256xi32, #tpu.memory_space<vmem>>, vector<16xi32>,
    %gather3A_29 = tpu.vector_load_idx %arg7[%get3A_28] : memref<8192xf32, #tpu.memory_space<vmem>>[vector<16xi32>], vector<16xf32>,
    %get3A_30 = arith.constant 48 : index
    %get3A_31 = tpu.vector_load %arg10[%get3A_30] {strides = array<i32>} : memref<256xi32, #tpu.memory_space<vmem>>, vector<16xi32>,
    %gather3A_32 = tpu.vector_load_idx %arg8[%get3A_31] : memref<16xf32, #tpu.memory_space<vmem>>[vector<16xi32>], vector<16xf32>,
    %add3A_33 = arith.addf %gather3A_29, %gather3A_32 : vector<16xf32>
    %swap3A_34 = arith.constant 48 : index
    %swap3A_35 = tpu.vector_load %arg11[%swap3A_34] {strides = array<i32>} : memref<256xf32, #tpu.memory_space<vmem>>, vector<16xf32>,
    tpu.vector_store %arg11[%swap3A_34], %add3A_33 {strides = array<i32>} : memref<256xf32, #tpu.memory_space<vmem>>, vector<16xf32>,
    %get3A_36 = arith.constant 64 : index
    %get3A_37 = tpu.vector_load %arg9[%get3A_36] {strides = array<i32>} : memref<256xi32, #tpu.memory_space<vmem>>, vector<16xi32>,
    %gather3A_38 = tpu.vector_load_idx %arg7[%get3A_37] : memref<8192xf32, #tpu.memory_space<vmem>>[vector<16xi32>], vector<16xf32>,
    %get3A_39 = arith.constant 64 : index
    %get3A_40 = tpu.vector_load %arg10[%get3A_39] {strides = array<i32>} : memref<256xi32, #tpu.memory_space<vmem>>, vector<16xi32>,
    %gather3A_41 = tpu.vector_load_idx %arg8[%get3A_40] : memref<16xf32, #tpu.memory_space<vmem>>[vector<16xi32>], vector<16xf32>,
    %add3A_42 = arith.addf %gather3A_38, %gather3A_41 : vector<16xf32>
    %swap3A_43 = arith.constant 64 : index
    %swap3A_44 = tpu.vector_load %arg11[%swap3A_43] {strides = array<i32>} : memref<256xf32, #tpu.memory_space<vmem>>, vector<16xf32>,
    tpu.vector_store %arg11[%swap3A_43], %add3A_42 {strides = array<i32>} : memref<256xf32, #tpu.memory_space<vmem>>, vector<16xf32>,
    %get3A_45 = arith.constant 80 : index
    %get3A_46 = tpu.vector_load %arg9[%get3A_45] {strides = array<i32>} : memref<256xi32, #tpu.memory_space<vmem>>, vector<16xi32>,
    %gather3A_47 = tpu.vector_load_idx %arg7[%get3A_46] : memref<8192xf32, #tpu.memory_space<vmem>>[vector<16xi32>], vector<16xf32>,
    %get3A_48 = arith.constant 80 : index
    %get3A_49 = tpu.vector_load %arg10[%get3A_48] {strides = array<i32>} : memref<256xi32, #tpu.memory_space<vmem>>, vector<16xi32>,
    %gather3A_50 = tpu.vector_load_idx %arg8[%get3A_49] : memref<16xf32, #tpu.memory_space<vmem>>[vector<16xi32>], vector<16xf32>,
    %add3A_51 = arith.addf %gather3A_47, %gather3A_50 : vector<16xf32>
    %swap3A_52 = arith.constant 80 : index
    %swap3A_53 = tpu.vector_load %arg11[%swap3A_52] {strides = array<i32>} : memref<256xf32, #tpu.memory_space<vmem>>, vector<16xf32>,
    tpu.vector_store %arg11[%swap3A_52], %add3A_51 {strides = array<i32>} : memref<256xf32, #tpu.memory_space<vmem>>, vector<16xf32>,
    %get3A_54 = arith.constant 96 : index
    %get3A_55 = tpu.vector_load %arg9[%get3A_54] {strides = array<i32>} : memref<256xi32, #tpu.memory_space<vmem>>, vector<16xi32>,
    %gather3A_56 = tpu.vector_load_idx %arg7[%get3A_55] : memref<8192xf32, #tpu.memory_space<vmem>>[vector<16xi32>], vector<16xf32>,
    %get3A_57 = arith.constant 96 : index
    %get3A_58 = tpu.vector_load %arg10[%get3A_57] {strides = array<i32>} : memref<256xi32, #tpu.memory_space<vmem>>, vector<16xi32>,
    %gather3A_59 = tpu.vector_load_idx %arg8[%get3A_58] : memref<16xf32, #tpu.memory_space<vmem>>[vector<16xi32>], vector<16xf32>,
    %add3A_60 = arith.addf %gather3A_56, %gather3A_59 : vector<16xf32>
    %swap3A_61 = arith.constant 96 : index
    %swap3A_62 = tpu.vector_load %arg11[%swap3A_61] {strides = array<i32>} : memref<256xf32, #tpu.memory_space<vmem>>, vector<16xf32>,
    tpu.vector_store %arg11[%swap3A_61], %add3A_60 {strides = array<i32>} : memref<256xf32, #tpu.memory_space<vmem>>, vector<16xf32>,
    %get3A_63 = arith.constant 112 : index
    %get3A_64 = tpu.vector_load %arg9[%get3A_63] {strides = array<i32>} : memref<256xi32, #tpu.memory_space<vmem>>, vector<16xi32>,
    %gather3A_65 = tpu.vector_load_idx %arg7[%get3A_64] : memref<8192xf32, #tpu.memory_space<vmem>>[vector<16xi32>], vector<16xf32>,
    %get3A_66 = arith.constant 112 : index
    %get3A_67 = tpu.vector_load %arg10[%get3A_66] {strides = array<i32>} : memref<256xi32, #tpu.memory_space<vmem>>, vector<16xi32>,
    %gather3A_68 = tpu.vector_load_idx %arg8[%get3A_67] : memref<16xf32, #tpu.memory_space<vmem>>[vector<16xi32>], vector<16xf32>,
    %add3A_69 = arith.addf %gather3A_65, %gather3A_68 : vector<16xf32>
    %swap3A_70 = arith.constant 112 : index
    %swap3A_71 = tpu.vector_load %arg11[%swap3A_70] {strides = array<i32>} : memref<256xf32, #tpu.memory_space<vmem>>, vector<16xf32>,
    tpu.vector_store %arg11[%swap3A_70], %add3A_69 {strides = array<i32>} : memref<256xf32, #tpu.memory_space<vmem>>, vector<16xf32>,
    %get3A_72 = arith.constant 128 : index
    %get3A_73 = tpu.vector_load %arg9[%get3A_72] {strides = array<i32>} : memref<256xi32, #tpu.memory_space<vmem>>, vector<16xi32>,
    %gather3A_74 = tpu.vector_load_idx %arg7[%get3A_73] : memref<8192xf32, #tpu.memory_space<vmem>>[vector<16xi32>], vector<16xf32>,
    %get3A_75 = arith.constant 128 : index
    %get3A_76 = tpu.vector_load %arg10[%get3A_75] {strides = array<i32>} : memref<256xi32, #tpu.memory_space<vmem>>, vector<16xi32>,
    %gather3A_77 = tpu.vector_load_idx %arg8[%get3A_76] : memref<16xf32, #tpu.memory_space<vmem>>[vector<16xi32>], vector<16xf32>,
    %add3A_78 = arith.addf %gather3A_74, %gather3A_77 : vector<16xf32>
    %swap3A_79 = arith.constant 128 : index
    %swap3A_80 = tpu.vector_load %arg11[%swap3A_79] {strides = array<i32>} : memref<256xf32, #tpu.memory_space<vmem>>, vector<16xf32>,
    tpu.vector_store %arg11[%swap3A_79], %add3A_78 {strides = array<i32>} : memref<256xf32, #tpu.memory_space<vmem>>, vector<16xf32>,
    %get3A_81 = arith.constant 144 : index
    %get3A_82 = tpu.vector_load %arg9[%get3A_81] {strides = array<i32>} : memref<256xi32, #tpu.memory_space<vmem>>, vector<16xi32>,
    %gather3A_83 = tpu.vector_load_idx %arg7[%get3A_82] : memref<8192xf32, #tpu.memory_space<vmem>>[vector<16xi32>], vector<16xf32>,
    %get3A_84 = arith.constant 144 : index
    %get3A_85 = tpu.vector_load %arg10[%get3A_84] {strides = array<i32>} : memref<256xi32, #tpu.memory_space<vmem>>, vector<16xi32>,
    %gather3A_86 = tpu.vector_load_idx %arg8[%get3A_85] : memref<16xf32, #tpu.memory_space<vmem>>[vector<16xi32>], vector<16xf32>,
    %add3A_87 = arith.addf %gather3A_83, %gather3A_86 : vector<16xf32>
    %swap3A_88 = arith.constant 144 : index
    %swap3A_89 = tpu.vector_load %arg11[%swap3A_88] {strides = array<i32>} : memref<256xf32, #tpu.memory_space<vmem>>, vector<16xf32>,
    tpu.vector_store %arg11[%swap3A_88], %add3A_87 {strides = array<i32>} : memref<256xf32, #tpu.memory_space<vmem>>, vector<16xf32>,
    %get3A_90 = arith.constant 160 : index
    %get3A_91 = tpu.vector_load %arg9[%get3A_90] {strides = array<i32>} : memref<256xi32, #tpu.memory_space<vmem>>, vector<16xi32>,
    %gather3A_92 = tpu.vector_load_idx %arg7[%get3A_91] : memref<8192xf32, #tpu.memory_space<vmem>>[vector<16xi32>], vector<16xf32>,
    %get3A_93 = arith.constant 160 : index
    %get3A_94 = tpu.vector_load %arg10[%get3A_93] {strides = array<i32>} : memref<256xi32, #tpu.memory_space<vmem>>, vector<16xi32>,
    %gather3A_95 = tpu.vector_load_idx %arg8[%get3A_94] : memref<16xf32, #tpu.memory_space<vmem>>[vector<16xi32>], vector<16xf32>,
    %add3A_96 = arith.addf %gather3A_92, %gather3A_95 : vector<16xf32>
    %swap3A_97 = arith.constant 160 : index
    %swap3A_98 = tpu.vector_load %arg11[%swap3A_97] {strides = array<i32>} : memref<256xf32, #tpu.memory_space<vmem>>, vector<16xf32>,
    tpu.vector_store %arg11[%swap3A_97], %add3A_96 {strides = array<i32>} : memref<256xf32, #tpu.memory_space<vmem>>, vector<16xf32>,
    %get3A_99 = arith.constant 176 : index
    %get3A_100 = tpu.vector_load %arg9[%get3A_99] {strides = array<i32>} : memref<256xi32, #tpu.memory_space<vmem>>, vector<16xi32>,
    %gather3A_101 = tpu.vector_load_idx %arg7[%get3A_100] : memref<8192xf32, #tpu.memory_space<vmem>>[vector<16xi32>], vector<16xf32>,
    %get3A_102 = arith.constant 176 : index
    %get3A_103 = tpu.vector_load %arg10[%get3A_102] {strides = array<i32>} : memref<256xi32, #tpu.memory_space<vmem>>, vector<16xi32>,
    %gather3A_104 = tpu.vector_load_idx %arg8[%get3A_103] : memref<16xf32, #tpu.memory_space<vmem>>[vector<16xi32>], vector<16xf32>,
    %add3A_105 = arith.addf %gather3A_101, %gather3A_104 : vector<16xf32>
    %swap3A_106 = arith.constant 176 : index
    %swap3A_107 = tpu.vector_load %arg11[%swap3A_106] {strides = array<i32>} : memref<256xf32, #tpu.memory_space<vmem>>, vector<16xf32>,
    tpu.vector_store %arg11[%swap3A_106], %add3A_105 {strides = array<i32>} : memref<256xf32, #tpu.memory_space<vmem>>, vector<16xf32>,
    %get3A_108 = arith.constant 192 : index
    %get3A_109 = tpu.vector_load %arg9[%get3A_108] {strides = array<i32>} : memref<256xi32, #tpu.memory_space<vmem>>, vector<16xi32>,
    %gather3A_110 = tpu.vector_load_idx %arg7[%get3A_109] : memref<8192xf32, #tpu.memory_space<vmem>>[vector<16xi32>], vector<16xf32>,
    %get3A_111 = arith.constant 192 : index
    %get3A_112 = tpu.vector_load %arg10[%get3A_111] {strides = array<i32>} : memref<256xi32, #tpu.memory_space<vmem>>, vector<16xi32>,
    %gather3A_113 = tpu.vector_load_idx %arg8[%get3A_112] : memref<16xf32, #tpu.memory_space<vmem>>[vector<16xi32>], vector<16xf32>,
    %add3A_114 = arith.addf %gather3A_110, %gather3A_113 : vector<16xf32>
    %swap3A_115 = arith.constant 192 : index
    %swap3A_116 = tpu.vector_load %arg11[%swap3A_115] {strides = array<i32>} : memref<256xf32, #tpu.memory_space<vmem>>, vector<16xf32>,
    tpu.vector_store %arg11[%swap3A_115], %add3A_114 {strides = array<i32>} : memref<256xf32, #tpu.memory_space<vmem>>, vector<16xf32>,
    %get3A_117 = arith.constant 208 : index
    %get3A_118 = tpu.vector_load %arg9[%get3A_117] {strides = array<i32>} : memref<256xi32, #tpu.memory_space<vmem>>, vector<16xi32>,
    %gather3A_119 = tpu.vector_load_idx %arg7[%get3A_118] : memref<8192xf32, #tpu.memory_space<vmem>>[vector<16xi32>], vector<16xf32>,
    %get3A_120 = arith.constant 208 : index
    %get3A_121 = tpu.vector_load %arg10[%get3A_120] {strides = array<i32>} : memref<256xi32, #tpu.memory_space<vmem>>, vector<16xi32>,
    %gather3A_122 = tpu.vector_load_idx %arg8[%get3A_121] : memref<16xf32, #tpu.memory_space<vmem>>[vector<16xi32>], vector<16xf32>,
    %add3A_123 = arith.addf %gather3A_119, %gather3A_122 : vector<16xf32>
    %swap3A_124 = arith.constant 208 : index
    %swap3A_125 = tpu.vector_load %arg11[%swap3A_124] {strides = array<i32>} : memref<256xf32, #tpu.memory_space<vmem>>, vector<16xf32>,
    tpu.vector_store %arg11[%swap3A_124], %add3A_123 {strides = array<i32>} : memref<256xf32, #tpu.memory_space<vmem>>, vector<16xf32>,
    %get3A_126 = arith.constant 224 : index
    %get3A_127 = tpu.vector_load %arg9[%get3A_126] {strides = array<i32>} : memref<256xi32, #tpu.memory_space<vmem>>, vector<16xi32>,
    %gather3A_128 = tpu.vector_load_idx %arg7[%get3A_127] : memref<8192xf32, #tpu.memory_space<vmem>>[vector<16xi32>], vector<16xf32>,
    %get3A_129 = arith.constant 224 : index
    %get3A_130 = tpu.vector_load %arg10[%get3A_129] {strides = array<i32>} : memref<256xi32, #tpu.memory_space<vmem>>, vector<16xi32>,
    %gather3A_131 = tpu.vector_load_idx %arg8[%get3A_130] : memref<16xf32, #tpu.memory_space<vmem>>[vector<16xi32>], vector<16xf32>,
    %add3A_132 = arith.addf %gather3A_128, %gather3A_131 : vector<16xf32>
    %swap3A_133 = arith.constant 224 : index
    %swap3A_134 = tpu.vector_load %arg11[%swap3A_133] {strides = array<i32>} : memref<256xf32, #tpu.memory_space<vmem>>, vector<16xf32>,
    tpu.vector_store %arg11[%swap3A_133], %add3A_132 {strides = array<i32>} : memref<256xf32, #tpu.memory_space<vmem>>, vector<16xf32>,
    %get3A_135 = arith.constant 240 : index
    %get3A_136 = tpu.vector_load %arg9[%get3A_135] {strides = array<i32>} : memref<256xi32, #tpu.memory_space<vmem>>, vector<16xi32>,
    %gather3A_137 = tpu.vector_load_idx %arg7[%get3A_136] : memref<8192xf32, #tpu.memory_space<vmem>>[vector<16xi32>], vector<16xf32>,
    %get3A_138 = arith.constant 240 : index
    %get3A_139 = tpu.vector_load %arg10[%get3A_138] {strides = array<i32>} : memref<256xi32, #tpu.memory_space<vmem>>, vector<16xi32>,
    %gather3A_140 = tpu.vector_load_idx %arg8[%get3A_139] : memref<16xf32, #tpu.memory_space<vmem>>[vector<16xi32>], vector<16xf32>,
    %add3A_141 = arith.addf %gather3A_137, %gather3A_140 : vector<16xf32>
    %swap3A_142 = arith.constant 240 : index
    %swap3A_143 = tpu.vector_load %arg11[%swap3A_142] {strides = array<i32>} : memref<256xf32, #tpu.memory_space<vmem>>, vector<16xf32>,
    tpu.vector_store %arg11[%swap3A_142], %add3A_141 {strides = array<i32>} : memref<256xf32, #tpu.memory_space<vmem>>, vector<16xf32>,
    "tpu.region"() ({
      %run_scoped3A = tpu.sem_alloc : memref<!tpu.dma_semaphore, #tpu.memory_space<semaphore_mem>>
      %dma_start3A = tpu.memref_slice %arg6[%mul3A_2] : memref<8192xf32, #tpu.memory_space<hbm>> -> memref<256xf32, #tpu.memory_space<hbm>>
      %dma_start3A_144 = tpu.memref_slice %arg6[%mul3A_2] : memref<8192xf32, #tpu.memory_space<hbm>> -> memref<256xf32, #tpu.memory_space<hbm>>
      tpu.enqueue_dma source(%arg11 : memref<256xf32, #tpu.memory_space<vmem>>) target(%dma_start3A_144 : memref<256xf32, #tpu.memory_space<hbm>>) target_semaphore(%run_scoped3A : memref<!tpu.dma_semaphore, #tpu.memory_space<semaphore_mem>>)
      %dma_wait3A = tpu.memref_slice %arg6[%mul3A_2] : memref<8192xf32, #tpu.memory_space<hbm>> -> memref<256xf32, #tpu.memory_space<hbm>>
      %dma_wait3A_145 = tpu.memref_slice %arg6[%mul3A_2] : memref<8192xf32, #tpu.memory_space<hbm>> -> memref<256xf32, #tpu.memory_space<hbm>>
      tpu.wait_dma2 semaphore(%run_scoped3A : memref<!tpu.dma_semaphore, #tpu.memory_space<semaphore_mem>>) src(%arg11 : memref<256xf32, #tpu.memory_space<vmem>>) dst(%dma_wait3A_145 : memref<256xf32, #tpu.memory_space<hbm>>)
      tpu.yield
    }) : () -> ()
    return
  }
}

#map = affine_map<(d0, d1) -> (0, 0)>
#map1 = affine_map<(d0, d1) -> (0)>
module attributes {stable_mosaic.version = 14 : i64} {
  func.func @_sc_dispatch(%arg0: i32, %arg1: i32, %arg2: memref<8192x768xf32, #tpu.memory_space<hbm>>, %arg3: memref<8192xi32, #tpu.memory_space<hbm>>, %arg4: memref<8192xi32, #tpu.memory_space<hbm>>, %arg5: memref<16xi32, #tpu.memory_space<hbm>>, %arg6: memref<8192x768xf32, #tpu.memory_space<hbm>>, %arg7: memref<8192xi32, #tpu.memory_space<hbm>>, %arg8: memref<16xi32, #tpu.memory_space<vmem>>, %arg9: memref<128xi32, #tpu.memory_space<vmem>>, %arg10: memref<128xi32, #tpu.memory_space<vmem>>, %arg11: memref<128x768xf32, #tpu.memory_space<vmem>>, %arg12: memref<!tpu.dma_semaphore, #tpu.memory_space<semaphore_mem>>) attributes {dimension_semantics = [#tpu.dimension_semantics<core_parallel>, #tpu.dimension_semantics<subcore_parallel>], iteration_bounds = array<i64: 2, 16>, scalar_prefetch = 0 : i64, scratch_operands = 5 : i64, tpu.core_type = #tpu.core_type<sc_vector_subcore>, window_params = [{transform_indices = #map}, {transform_indices = #map1}, {transform_indices = #map1}, {transform_indices = #map1}, {transform_indices = #map}, {transform_indices = #map1}]} {
    %mul3A = arith.constant 2 : i32
    %mul3A_0 = arith.muli %arg1, %mul3A : i32
    %add3A = arith.addi %mul3A_0, %arg0 : i32
    %mul3A_1 = arith.constant 256 : i32
    %mul3A_2 = arith.muli %add3A, %mul3A_1 : i32
    "tpu.region"() ({
      %run_scoped3A = tpu.sem_alloc : memref<!tpu.dma_semaphore, #tpu.memory_space<semaphore_mem>>
      tpu.enqueue_dma source(%arg5 : memref<16xi32, #tpu.memory_space<hbm>>) target(%arg8 : memref<16xi32, #tpu.memory_space<vmem>>) target_semaphore(%run_scoped3A : memref<!tpu.dma_semaphore, #tpu.memory_space<semaphore_mem>>)
      tpu.wait_dma2 semaphore(%run_scoped3A : memref<!tpu.dma_semaphore, #tpu.memory_space<semaphore_mem>>) src(%arg5 : memref<16xi32, #tpu.memory_space<hbm>>) dst(%arg8 : memref<16xi32, #tpu.memory_space<vmem>>)
      tpu.yield
    }) : () -> ()
    %add3A_3 = arith.constant 0 : i32
    %add3A_4 = arith.addi %mul3A_2, %add3A_3 : i32
    "tpu.region"() ({
      %run_scoped3A = tpu.sem_alloc : memref<!tpu.dma_semaphore, #tpu.memory_space<semaphore_mem>>
      %dma_start3A_142 = tpu.memref_slice %arg3[%add3A_4] : memref<8192xi32, #tpu.memory_space<hbm>> -> memref<128xi32, #tpu.memory_space<hbm>>
      %dma_start3A_143 = tpu.memref_slice %arg3[%add3A_4] : memref<8192xi32, #tpu.memory_space<hbm>> -> memref<128xi32, #tpu.memory_space<hbm>>
      tpu.enqueue_dma source(%dma_start3A_143 : memref<128xi32, #tpu.memory_space<hbm>>) target(%arg9 : memref<128xi32, #tpu.memory_space<vmem>>) target_semaphore(%run_scoped3A : memref<!tpu.dma_semaphore, #tpu.memory_space<semaphore_mem>>)
      %dma_wait3A_144 = tpu.memref_slice %arg3[%add3A_4] : memref<8192xi32, #tpu.memory_space<hbm>> -> memref<128xi32, #tpu.memory_space<hbm>>
      %dma_wait3A_145 = tpu.memref_slice %arg3[%add3A_4] : memref<8192xi32, #tpu.memory_space<hbm>> -> memref<128xi32, #tpu.memory_space<hbm>>
      tpu.wait_dma2 semaphore(%run_scoped3A : memref<!tpu.dma_semaphore, #tpu.memory_space<semaphore_mem>>) src(%dma_wait3A_145 : memref<128xi32, #tpu.memory_space<hbm>>) dst(%arg9 : memref<128xi32, #tpu.memory_space<vmem>>)
      tpu.yield
    }) : () -> ()
    "tpu.region"() ({
      %run_scoped3A = tpu.sem_alloc : memref<!tpu.dma_semaphore, #tpu.memory_space<semaphore_mem>>
      %dma_start3A_142 = tpu.memref_slice %arg4[%add3A_4] : memref<8192xi32, #tpu.memory_space<hbm>> -> memref<128xi32, #tpu.memory_space<hbm>>
      %dma_start3A_143 = tpu.memref_slice %arg4[%add3A_4] : memref<8192xi32, #tpu.memory_space<hbm>> -> memref<128xi32, #tpu.memory_space<hbm>>
      tpu.enqueue_dma source(%dma_start3A_143 : memref<128xi32, #tpu.memory_space<hbm>>) target(%arg10 : memref<128xi32, #tpu.memory_space<vmem>>) target_semaphore(%run_scoped3A : memref<!tpu.dma_semaphore, #tpu.memory_space<semaphore_mem>>)
      %dma_wait3A_144 = tpu.memref_slice %arg4[%add3A_4] : memref<8192xi32, #tpu.memory_space<hbm>> -> memref<128xi32, #tpu.memory_space<hbm>>
      %dma_wait3A_145 = tpu.memref_slice %arg4[%add3A_4] : memref<8192xi32, #tpu.memory_space<hbm>> -> memref<128xi32, #tpu.memory_space<hbm>>
      tpu.wait_dma2 semaphore(%run_scoped3A : memref<!tpu.dma_semaphore, #tpu.memory_space<semaphore_mem>>) src(%dma_wait3A_145 : memref<128xi32, #tpu.memory_space<hbm>>) dst(%arg10 : memref<128xi32, #tpu.memory_space<vmem>>)
      tpu.yield
    }) : () -> ()
    %get3A = arith.constant 0 : index
    %get3A_5 = tpu.vector_load %arg10[%get3A] {strides = array<i32>} : memref<128xi32, #tpu.memory_space<vmem>>, vector<16xi32>,
    %get3A_6 = arith.constant 0 : index
    %get3A_7 = tpu.vector_load %arg9[%get3A_6] {strides = array<i32>} : memref<128xi32, #tpu.memory_space<vmem>>, vector<16xi32>,
    %gather3A = tpu.vector_load_idx %arg8[%get3A_7] : memref<16xi32, #tpu.memory_space<vmem>>[vector<16xi32>], vector<16xi32>,
    %add3A_8 = arith.addi %get3A_5, %gather3A : vector<16xi32>
    %swap3A = arith.constant 0 : index
    %swap3A_9 = tpu.vector_load %arg10[%swap3A] {strides = array<i32>} : memref<128xi32, #tpu.memory_space<vmem>>, vector<16xi32>,
    tpu.vector_store %arg10[%swap3A], %add3A_8 {strides = array<i32>} : memref<128xi32, #tpu.memory_space<vmem>>, vector<16xi32>,
    %get3A_10 = arith.constant 16 : index
    %get3A_11 = tpu.vector_load %arg10[%get3A_10] {strides = array<i32>} : memref<128xi32, #tpu.memory_space<vmem>>, vector<16xi32>,
    %get3A_12 = arith.constant 16 : index
    %get3A_13 = tpu.vector_load %arg9[%get3A_12] {strides = array<i32>} : memref<128xi32, #tpu.memory_space<vmem>>, vector<16xi32>,
    %gather3A_14 = tpu.vector_load_idx %arg8[%get3A_13] : memref<16xi32, #tpu.memory_space<vmem>>[vector<16xi32>], vector<16xi32>,
    %add3A_15 = arith.addi %get3A_11, %gather3A_14 : vector<16xi32>
    %swap3A_16 = arith.constant 16 : index
    %swap3A_17 = tpu.vector_load %arg10[%swap3A_16] {strides = array<i32>} : memref<128xi32, #tpu.memory_space<vmem>>, vector<16xi32>,
    tpu.vector_store %arg10[%swap3A_16], %add3A_15 {strides = array<i32>} : memref<128xi32, #tpu.memory_space<vmem>>, vector<16xi32>,
    %get3A_18 = arith.constant 32 : index
    %get3A_19 = tpu.vector_load %arg10[%get3A_18] {strides = array<i32>} : memref<128xi32, #tpu.memory_space<vmem>>, vector<16xi32>,
    %get3A_20 = arith.constant 32 : index
    %get3A_21 = tpu.vector_load %arg9[%get3A_20] {strides = array<i32>} : memref<128xi32, #tpu.memory_space<vmem>>, vector<16xi32>,
    %gather3A_22 = tpu.vector_load_idx %arg8[%get3A_21] : memref<16xi32, #tpu.memory_space<vmem>>[vector<16xi32>], vector<16xi32>,
    %add3A_23 = arith.addi %get3A_19, %gather3A_22 : vector<16xi32>
    %swap3A_24 = arith.constant 32 : index
    %swap3A_25 = tpu.vector_load %arg10[%swap3A_24] {strides = array<i32>} : memref<128xi32, #tpu.memory_space<vmem>>, vector<16xi32>,
    tpu.vector_store %arg10[%swap3A_24], %add3A_23 {strides = array<i32>} : memref<128xi32, #tpu.memory_space<vmem>>, vector<16xi32>,
    %get3A_26 = arith.constant 48 : index
    %get3A_27 = tpu.vector_load %arg10[%get3A_26] {strides = array<i32>} : memref<128xi32, #tpu.memory_space<vmem>>, vector<16xi32>,
    %get3A_28 = arith.constant 48 : index
    %get3A_29 = tpu.vector_load %arg9[%get3A_28] {strides = array<i32>} : memref<128xi32, #tpu.memory_space<vmem>>, vector<16xi32>,
    %gather3A_30 = tpu.vector_load_idx %arg8[%get3A_29] : memref<16xi32, #tpu.memory_space<vmem>>[vector<16xi32>], vector<16xi32>,
    %add3A_31 = arith.addi %get3A_27, %gather3A_30 : vector<16xi32>
    %swap3A_32 = arith.constant 48 : index
    %swap3A_33 = tpu.vector_load %arg10[%swap3A_32] {strides = array<i32>} : memref<128xi32, #tpu.memory_space<vmem>>, vector<16xi32>,
    tpu.vector_store %arg10[%swap3A_32], %add3A_31 {strides = array<i32>} : memref<128xi32, #tpu.memory_space<vmem>>, vector<16xi32>,
    %get3A_34 = arith.constant 64 : index
    %get3A_35 = tpu.vector_load %arg10[%get3A_34] {strides = array<i32>} : memref<128xi32, #tpu.memory_space<vmem>>, vector<16xi32>,
    %get3A_36 = arith.constant 64 : index
    %get3A_37 = tpu.vector_load %arg9[%get3A_36] {strides = array<i32>} : memref<128xi32, #tpu.memory_space<vmem>>, vector<16xi32>,
    %gather3A_38 = tpu.vector_load_idx %arg8[%get3A_37] : memref<16xi32, #tpu.memory_space<vmem>>[vector<16xi32>], vector<16xi32>,
    %add3A_39 = arith.addi %get3A_35, %gather3A_38 : vector<16xi32>
    %swap3A_40 = arith.constant 64 : index
    %swap3A_41 = tpu.vector_load %arg10[%swap3A_40] {strides = array<i32>} : memref<128xi32, #tpu.memory_space<vmem>>, vector<16xi32>,
    tpu.vector_store %arg10[%swap3A_40], %add3A_39 {strides = array<i32>} : memref<128xi32, #tpu.memory_space<vmem>>, vector<16xi32>,
    %get3A_42 = arith.constant 80 : index
    %get3A_43 = tpu.vector_load %arg10[%get3A_42] {strides = array<i32>} : memref<128xi32, #tpu.memory_space<vmem>>, vector<16xi32>,
    %get3A_44 = arith.constant 80 : index
    %get3A_45 = tpu.vector_load %arg9[%get3A_44] {strides = array<i32>} : memref<128xi32, #tpu.memory_space<vmem>>, vector<16xi32>,
    %gather3A_46 = tpu.vector_load_idx %arg8[%get3A_45] : memref<16xi32, #tpu.memory_space<vmem>>[vector<16xi32>], vector<16xi32>,
    %add3A_47 = arith.addi %get3A_43, %gather3A_46 : vector<16xi32>
    %swap3A_48 = arith.constant 80 : index
    %swap3A_49 = tpu.vector_load %arg10[%swap3A_48] {strides = array<i32>} : memref<128xi32, #tpu.memory_space<vmem>>, vector<16xi32>,
    tpu.vector_store %arg10[%swap3A_48], %add3A_47 {strides = array<i32>} : memref<128xi32, #tpu.memory_space<vmem>>, vector<16xi32>,
    %get3A_50 = arith.constant 96 : index
    %get3A_51 = tpu.vector_load %arg10[%get3A_50] {strides = array<i32>} : memref<128xi32, #tpu.memory_space<vmem>>, vector<16xi32>,
    %get3A_52 = arith.constant 96 : index
    %get3A_53 = tpu.vector_load %arg9[%get3A_52] {strides = array<i32>} : memref<128xi32, #tpu.memory_space<vmem>>, vector<16xi32>,
    %gather3A_54 = tpu.vector_load_idx %arg8[%get3A_53] : memref<16xi32, #tpu.memory_space<vmem>>[vector<16xi32>], vector<16xi32>,
    %add3A_55 = arith.addi %get3A_51, %gather3A_54 : vector<16xi32>
    %swap3A_56 = arith.constant 96 : index
    %swap3A_57 = tpu.vector_load %arg10[%swap3A_56] {strides = array<i32>} : memref<128xi32, #tpu.memory_space<vmem>>, vector<16xi32>,
    tpu.vector_store %arg10[%swap3A_56], %add3A_55 {strides = array<i32>} : memref<128xi32, #tpu.memory_space<vmem>>, vector<16xi32>,
    %get3A_58 = arith.constant 112 : index
    %get3A_59 = tpu.vector_load %arg10[%get3A_58] {strides = array<i32>} : memref<128xi32, #tpu.memory_space<vmem>>, vector<16xi32>,
    %get3A_60 = arith.constant 112 : index
    %get3A_61 = tpu.vector_load %arg9[%get3A_60] {strides = array<i32>} : memref<128xi32, #tpu.memory_space<vmem>>, vector<16xi32>,
    %gather3A_62 = tpu.vector_load_idx %arg8[%get3A_61] : memref<16xi32, #tpu.memory_space<vmem>>[vector<16xi32>], vector<16xi32>,
    %add3A_63 = arith.addi %get3A_59, %gather3A_62 : vector<16xi32>
    %swap3A_64 = arith.constant 112 : index
    %swap3A_65 = tpu.vector_load %arg10[%swap3A_64] {strides = array<i32>} : memref<128xi32, #tpu.memory_space<vmem>>, vector<16xi32>,
    tpu.vector_store %arg10[%swap3A_64], %add3A_63 {strides = array<i32>} : memref<128xi32, #tpu.memory_space<vmem>>, vector<16xi32>,
    "tpu.region"() ({
      %run_scoped3A = tpu.sem_alloc : memref<!tpu.dma_semaphore, #tpu.memory_space<semaphore_mem>>
      %dma_start3A_142 = arith.constant 0 : i32
      %dma_start3A_143 = tpu.memref_slice %arg2[%add3A_4, %dma_start3A_142] : memref<8192x768xf32, #tpu.memory_space<hbm>> -> memref<128x768xf32, #tpu.memory_space<hbm>>
      %dma_start3A_144 = arith.constant 0 : i32
      %dma_start3A_145 = tpu.memref_slice %arg2[%add3A_4, %dma_start3A_144] : memref<8192x768xf32, #tpu.memory_space<hbm>> -> memref<128x768xf32, #tpu.memory_space<hbm>>
      tpu.enqueue_dma source(%dma_start3A_145 : memref<128x768xf32, #tpu.memory_space<hbm>>) target(%arg11 : memref<128x768xf32, #tpu.memory_space<vmem>>) target_semaphore(%run_scoped3A : memref<!tpu.dma_semaphore, #tpu.memory_space<semaphore_mem>>)
      %dma_wait3A_146 = arith.constant 0 : i32
      %dma_wait3A_147 = tpu.memref_slice %arg2[%add3A_4, %dma_wait3A_146] : memref<8192x768xf32, #tpu.memory_space<hbm>> -> memref<128x768xf32, #tpu.memory_space<hbm>>
      %dma_wait3A_148 = arith.constant 0 : i32
      %dma_wait3A_149 = tpu.memref_slice %arg2[%add3A_4, %dma_wait3A_148] : memref<8192x768xf32, #tpu.memory_space<hbm>> -> memref<128x768xf32, #tpu.memory_space<hbm>>
      tpu.wait_dma2 semaphore(%run_scoped3A : memref<!tpu.dma_semaphore, #tpu.memory_space<semaphore_mem>>) src(%dma_wait3A_149 : memref<128x768xf32, #tpu.memory_space<hbm>>) dst(%arg11 : memref<128x768xf32, #tpu.memory_space<vmem>>)
      tpu.yield
    }) : () -> ()
    %dma_start3A = arith.constant 0 : i32
    %dma_start3A_66 = arith.constant 0 : i32
    %dma_start3A_67 = tpu.memref_slice %arg6[%dma_start3A, %dma_start3A_66] : memref<8192x768xf32, #tpu.memory_space<hbm>> -> memref<8192x768xf32, #tpu.memory_space<hbm>>
    tpu.enqueue_indirect_dma source(%arg11 : memref<128x768xf32, #tpu.memory_space<vmem>>) target(%dma_start3A_67 : memref<8192x768xf32, #tpu.memory_space<hbm>>) offsets(%arg10 : memref<128xi32, #tpu.memory_space<vmem>>) semaphore(%arg12 : memref<!tpu.dma_semaphore, #tpu.memory_space<semaphore_mem>>)
    "tpu.region"() ({
      %run_scoped3A = tpu.sem_alloc : memref<!tpu.dma_semaphore, #tpu.memory_space<semaphore_mem>>
      %dma_start3A_142 = tpu.memref_slice %arg7[%add3A_4] : memref<8192xi32, #tpu.memory_space<hbm>> -> memref<128xi32, #tpu.memory_space<hbm>>
      %dma_start3A_143 = tpu.memref_slice %arg7[%add3A_4] : memref<8192xi32, #tpu.memory_space<hbm>> -> memref<128xi32, #tpu.memory_space<hbm>>
      tpu.enqueue_dma source(%arg10 : memref<128xi32, #tpu.memory_space<vmem>>) target(%dma_start3A_143 : memref<128xi32, #tpu.memory_space<hbm>>) target_semaphore(%run_scoped3A : memref<!tpu.dma_semaphore, #tpu.memory_space<semaphore_mem>>)
      %dma_wait3A_144 = tpu.memref_slice %arg7[%add3A_4] : memref<8192xi32, #tpu.memory_space<hbm>> -> memref<128xi32, #tpu.memory_space<hbm>>
      %dma_wait3A_145 = tpu.memref_slice %arg7[%add3A_4] : memref<8192xi32, #tpu.memory_space<hbm>> -> memref<128xi32, #tpu.memory_space<hbm>>
      tpu.wait_dma2 semaphore(%run_scoped3A : memref<!tpu.dma_semaphore, #tpu.memory_space<semaphore_mem>>) src(%arg10 : memref<128xi32, #tpu.memory_space<vmem>>) dst(%dma_wait3A_145 : memref<128xi32, #tpu.memory_space<hbm>>)
      tpu.yield
    }) : () -> ()
    %dma_wait3A = arith.constant 0 : i32
    %dma_wait3A_68 = arith.constant 0 : i32
    %dma_wait3A_69 = tpu.memref_slice %arg6[%dma_wait3A, %dma_wait3A_68] : memref<8192x768xf32, #tpu.memory_space<hbm>> -> memref<8192x768xf32, #tpu.memory_space<hbm>>
    tpu.wait_indirect_dma semaphore(%arg12 : memref<!tpu.dma_semaphore, #tpu.memory_space<semaphore_mem>>) src(%arg11 : memref<128x768xf32, #tpu.memory_space<vmem>>) dst(%dma_wait3A_69 : memref<8192x768xf32, #tpu.memory_space<hbm>>)
    %add3A_70 = arith.constant 128 : i32
    %add3A_71 = arith.addi %mul3A_2, %add3A_70 : i32
    "tpu.region"() ({
      %run_scoped3A = tpu.sem_alloc : memref<!tpu.dma_semaphore, #tpu.memory_space<semaphore_mem>>
      %dma_start3A_142 = tpu.memref_slice %arg3[%add3A_71] : memref<8192xi32, #tpu.memory_space<hbm>> -> memref<128xi32, #tpu.memory_space<hbm>>
      %dma_start3A_143 = tpu.memref_slice %arg3[%add3A_71] : memref<8192xi32, #tpu.memory_space<hbm>> -> memref<128xi32, #tpu.memory_space<hbm>>
      tpu.enqueue_dma source(%dma_start3A_143 : memref<128xi32, #tpu.memory_space<hbm>>) target(%arg9 : memref<128xi32, #tpu.memory_space<vmem>>) target_semaphore(%run_scoped3A : memref<!tpu.dma_semaphore, #tpu.memory_space<semaphore_mem>>)
      %dma_wait3A_144 = tpu.memref_slice %arg3[%add3A_71] : memref<8192xi32, #tpu.memory_space<hbm>> -> memref<128xi32, #tpu.memory_space<hbm>>
      %dma_wait3A_145 = tpu.memref_slice %arg3[%add3A_71] : memref<8192xi32, #tpu.memory_space<hbm>> -> memref<128xi32, #tpu.memory_space<hbm>>
      tpu.wait_dma2 semaphore(%run_scoped3A : memref<!tpu.dma_semaphore, #tpu.memory_space<semaphore_mem>>) src(%dma_wait3A_145 : memref<128xi32, #tpu.memory_space<hbm>>) dst(%arg9 : memref<128xi32, #tpu.memory_space<vmem>>)
      tpu.yield
    }) : () -> ()
    "tpu.region"() ({
      %run_scoped3A = tpu.sem_alloc : memref<!tpu.dma_semaphore, #tpu.memory_space<semaphore_mem>>
      %dma_start3A_142 = tpu.memref_slice %arg4[%add3A_71] : memref<8192xi32, #tpu.memory_space<hbm>> -> memref<128xi32, #tpu.memory_space<hbm>>
      %dma_start3A_143 = tpu.memref_slice %arg4[%add3A_71] : memref<8192xi32, #tpu.memory_space<hbm>> -> memref<128xi32, #tpu.memory_space<hbm>>
      tpu.enqueue_dma source(%dma_start3A_143 : memref<128xi32, #tpu.memory_space<hbm>>) target(%arg10 : memref<128xi32, #tpu.memory_space<vmem>>) target_semaphore(%run_scoped3A : memref<!tpu.dma_semaphore, #tpu.memory_space<semaphore_mem>>)
      %dma_wait3A_144 = tpu.memref_slice %arg4[%add3A_71] : memref<8192xi32, #tpu.memory_space<hbm>> -> memref<128xi32, #tpu.memory_space<hbm>>
      %dma_wait3A_145 = tpu.memref_slice %arg4[%add3A_71] : memref<8192xi32, #tpu.memory_space<hbm>> -> memref<128xi32, #tpu.memory_space<hbm>>
      tpu.wait_dma2 semaphore(%run_scoped3A : memref<!tpu.dma_semaphore, #tpu.memory_space<semaphore_mem>>) src(%dma_wait3A_145 : memref<128xi32, #tpu.memory_space<hbm>>) dst(%arg10 : memref<128xi32, #tpu.memory_space<vmem>>)
      tpu.yield
    }) : () -> ()
    %get3A_72 = arith.constant 0 : index
    %get3A_73 = tpu.vector_load %arg10[%get3A_72] {strides = array<i32>} : memref<128xi32, #tpu.memory_space<vmem>>, vector<16xi32>,
    %get3A_74 = arith.constant 0 : index
    %get3A_75 = tpu.vector_load %arg9[%get3A_74] {strides = array<i32>} : memref<128xi32, #tpu.memory_space<vmem>>, vector<16xi32>,
    %gather3A_76 = tpu.vector_load_idx %arg8[%get3A_75] : memref<16xi32, #tpu.memory_space<vmem>>[vector<16xi32>], vector<16xi32>,
    %add3A_77 = arith.addi %get3A_73, %gather3A_76 : vector<16xi32>
    %swap3A_78 = arith.constant 0 : index
    %swap3A_79 = tpu.vector_load %arg10[%swap3A_78] {strides = array<i32>} : memref<128xi32, #tpu.memory_space<vmem>>, vector<16xi32>,
    tpu.vector_store %arg10[%swap3A_78], %add3A_77 {strides = array<i32>} : memref<128xi32, #tpu.memory_space<vmem>>, vector<16xi32>,
    %get3A_80 = arith.constant 16 : index
    %get3A_81 = tpu.vector_load %arg10[%get3A_80] {strides = array<i32>} : memref<128xi32, #tpu.memory_space<vmem>>, vector<16xi32>,
    %get3A_82 = arith.constant 16 : index
    %get3A_83 = tpu.vector_load %arg9[%get3A_82] {strides = array<i32>} : memref<128xi32, #tpu.memory_space<vmem>>, vector<16xi32>,
    %gather3A_84 = tpu.vector_load_idx %arg8[%get3A_83] : memref<16xi32, #tpu.memory_space<vmem>>[vector<16xi32>], vector<16xi32>,
    %add3A_85 = arith.addi %get3A_81, %gather3A_84 : vector<16xi32>
    %swap3A_86 = arith.constant 16 : index
    %swap3A_87 = tpu.vector_load %arg10[%swap3A_86] {strides = array<i32>} : memref<128xi32, #tpu.memory_space<vmem>>, vector<16xi32>,
    tpu.vector_store %arg10[%swap3A_86], %add3A_85 {strides = array<i32>} : memref<128xi32, #tpu.memory_space<vmem>>, vector<16xi32>,
    %get3A_88 = arith.constant 32 : index
    %get3A_89 = tpu.vector_load %arg10[%get3A_88] {strides = array<i32>} : memref<128xi32, #tpu.memory_space<vmem>>, vector<16xi32>,
    %get3A_90 = arith.constant 32 : index
    %get3A_91 = tpu.vector_load %arg9[%get3A_90] {strides = array<i32>} : memref<128xi32, #tpu.memory_space<vmem>>, vector<16xi32>,
    %gather3A_92 = tpu.vector_load_idx %arg8[%get3A_91] : memref<16xi32, #tpu.memory_space<vmem>>[vector<16xi32>], vector<16xi32>,
    %add3A_93 = arith.addi %get3A_89, %gather3A_92 : vector<16xi32>
    %swap3A_94 = arith.constant 32 : index
    %swap3A_95 = tpu.vector_load %arg10[%swap3A_94] {strides = array<i32>} : memref<128xi32, #tpu.memory_space<vmem>>, vector<16xi32>,
    tpu.vector_store %arg10[%swap3A_94], %add3A_93 {strides = array<i32>} : memref<128xi32, #tpu.memory_space<vmem>>, vector<16xi32>,
    %get3A_96 = arith.constant 48 : index
    %get3A_97 = tpu.vector_load %arg10[%get3A_96] {strides = array<i32>} : memref<128xi32, #tpu.memory_space<vmem>>, vector<16xi32>,
    %get3A_98 = arith.constant 48 : index
    %get3A_99 = tpu.vector_load %arg9[%get3A_98] {strides = array<i32>} : memref<128xi32, #tpu.memory_space<vmem>>, vector<16xi32>,
    %gather3A_100 = tpu.vector_load_idx %arg8[%get3A_99] : memref<16xi32, #tpu.memory_space<vmem>>[vector<16xi32>], vector<16xi32>,
    %add3A_101 = arith.addi %get3A_97, %gather3A_100 : vector<16xi32>
    %swap3A_102 = arith.constant 48 : index
    %swap3A_103 = tpu.vector_load %arg10[%swap3A_102] {strides = array<i32>} : memref<128xi32, #tpu.memory_space<vmem>>, vector<16xi32>,
    tpu.vector_store %arg10[%swap3A_102], %add3A_101 {strides = array<i32>} : memref<128xi32, #tpu.memory_space<vmem>>, vector<16xi32>,
    %get3A_104 = arith.constant 64 : index
    %get3A_105 = tpu.vector_load %arg10[%get3A_104] {strides = array<i32>} : memref<128xi32, #tpu.memory_space<vmem>>, vector<16xi32>,
    %get3A_106 = arith.constant 64 : index
    %get3A_107 = tpu.vector_load %arg9[%get3A_106] {strides = array<i32>} : memref<128xi32, #tpu.memory_space<vmem>>, vector<16xi32>,
    %gather3A_108 = tpu.vector_load_idx %arg8[%get3A_107] : memref<16xi32, #tpu.memory_space<vmem>>[vector<16xi32>], vector<16xi32>,
    %add3A_109 = arith.addi %get3A_105, %gather3A_108 : vector<16xi32>
    %swap3A_110 = arith.constant 64 : index
    %swap3A_111 = tpu.vector_load %arg10[%swap3A_110] {strides = array<i32>} : memref<128xi32, #tpu.memory_space<vmem>>, vector<16xi32>,
    tpu.vector_store %arg10[%swap3A_110], %add3A_109 {strides = array<i32>} : memref<128xi32, #tpu.memory_space<vmem>>, vector<16xi32>,
    %get3A_112 = arith.constant 80 : index
    %get3A_113 = tpu.vector_load %arg10[%get3A_112] {strides = array<i32>} : memref<128xi32, #tpu.memory_space<vmem>>, vector<16xi32>,
    %get3A_114 = arith.constant 80 : index
    %get3A_115 = tpu.vector_load %arg9[%get3A_114] {strides = array<i32>} : memref<128xi32, #tpu.memory_space<vmem>>, vector<16xi32>,
    %gather3A_116 = tpu.vector_load_idx %arg8[%get3A_115] : memref<16xi32, #tpu.memory_space<vmem>>[vector<16xi32>], vector<16xi32>,
    %add3A_117 = arith.addi %get3A_113, %gather3A_116 : vector<16xi32>
    %swap3A_118 = arith.constant 80 : index
    %swap3A_119 = tpu.vector_load %arg10[%swap3A_118] {strides = array<i32>} : memref<128xi32, #tpu.memory_space<vmem>>, vector<16xi32>,
    tpu.vector_store %arg10[%swap3A_118], %add3A_117 {strides = array<i32>} : memref<128xi32, #tpu.memory_space<vmem>>, vector<16xi32>,
    %get3A_120 = arith.constant 96 : index
    %get3A_121 = tpu.vector_load %arg10[%get3A_120] {strides = array<i32>} : memref<128xi32, #tpu.memory_space<vmem>>, vector<16xi32>,
    %get3A_122 = arith.constant 96 : index
    %get3A_123 = tpu.vector_load %arg9[%get3A_122] {strides = array<i32>} : memref<128xi32, #tpu.memory_space<vmem>>, vector<16xi32>,
    %gather3A_124 = tpu.vector_load_idx %arg8[%get3A_123] : memref<16xi32, #tpu.memory_space<vmem>>[vector<16xi32>], vector<16xi32>,
    %add3A_125 = arith.addi %get3A_121, %gather3A_124 : vector<16xi32>
    %swap3A_126 = arith.constant 96 : index
    %swap3A_127 = tpu.vector_load %arg10[%swap3A_126] {strides = array<i32>} : memref<128xi32, #tpu.memory_space<vmem>>, vector<16xi32>,
    tpu.vector_store %arg10[%swap3A_126], %add3A_125 {strides = array<i32>} : memref<128xi32, #tpu.memory_space<vmem>>, vector<16xi32>,
    %get3A_128 = arith.constant 112 : index
    %get3A_129 = tpu.vector_load %arg10[%get3A_128] {strides = array<i32>} : memref<128xi32, #tpu.memory_space<vmem>>, vector<16xi32>,
    %get3A_130 = arith.constant 112 : index
    %get3A_131 = tpu.vector_load %arg9[%get3A_130] {strides = array<i32>} : memref<128xi32, #tpu.memory_space<vmem>>, vector<16xi32>,
    %gather3A_132 = tpu.vector_load_idx %arg8[%get3A_131] : memref<16xi32, #tpu.memory_space<vmem>>[vector<16xi32>], vector<16xi32>,
    %add3A_133 = arith.addi %get3A_129, %gather3A_132 : vector<16xi32>
    %swap3A_134 = arith.constant 112 : index
    %swap3A_135 = tpu.vector_load %arg10[%swap3A_134] {strides = array<i32>} : memref<128xi32, #tpu.memory_space<vmem>>, vector<16xi32>,
    tpu.vector_store %arg10[%swap3A_134], %add3A_133 {strides = array<i32>} : memref<128xi32, #tpu.memory_space<vmem>>, vector<16xi32>,
    "tpu.region"() ({
      %run_scoped3A = tpu.sem_alloc : memref<!tpu.dma_semaphore, #tpu.memory_space<semaphore_mem>>
      %dma_start3A_142 = arith.constant 0 : i32
      %dma_start3A_143 = tpu.memref_slice %arg2[%add3A_71, %dma_start3A_142] : memref<8192x768xf32, #tpu.memory_space<hbm>> -> memref<128x768xf32, #tpu.memory_space<hbm>>
      %dma_start3A_144 = arith.constant 0 : i32
      %dma_start3A_145 = tpu.memref_slice %arg2[%add3A_71, %dma_start3A_144] : memref<8192x768xf32, #tpu.memory_space<hbm>> -> memref<128x768xf32, #tpu.memory_space<hbm>>
      tpu.enqueue_dma source(%dma_start3A_145 : memref<128x768xf32, #tpu.memory_space<hbm>>) target(%arg11 : memref<128x768xf32, #tpu.memory_space<vmem>>) target_semaphore(%run_scoped3A : memref<!tpu.dma_semaphore, #tpu.memory_space<semaphore_mem>>)
      %dma_wait3A_146 = arith.constant 0 : i32
      %dma_wait3A_147 = tpu.memref_slice %arg2[%add3A_71, %dma_wait3A_146] : memref<8192x768xf32, #tpu.memory_space<hbm>> -> memref<128x768xf32, #tpu.memory_space<hbm>>
      %dma_wait3A_148 = arith.constant 0 : i32
      %dma_wait3A_149 = tpu.memref_slice %arg2[%add3A_71, %dma_wait3A_148] : memref<8192x768xf32, #tpu.memory_space<hbm>> -> memref<128x768xf32, #tpu.memory_space<hbm>>
      tpu.wait_dma2 semaphore(%run_scoped3A : memref<!tpu.dma_semaphore, #tpu.memory_space<semaphore_mem>>) src(%dma_wait3A_149 : memref<128x768xf32, #tpu.memory_space<hbm>>) dst(%arg11 : memref<128x768xf32, #tpu.memory_space<vmem>>)
      tpu.yield
    }) : () -> ()
    %dma_start3A_136 = arith.constant 0 : i32
    %dma_start3A_137 = arith.constant 0 : i32
    %dma_start3A_138 = tpu.memref_slice %arg6[%dma_start3A_136, %dma_start3A_137] : memref<8192x768xf32, #tpu.memory_space<hbm>> -> memref<8192x768xf32, #tpu.memory_space<hbm>>
    tpu.enqueue_indirect_dma source(%arg11 : memref<128x768xf32, #tpu.memory_space<vmem>>) target(%dma_start3A_138 : memref<8192x768xf32, #tpu.memory_space<hbm>>) offsets(%arg10 : memref<128xi32, #tpu.memory_space<vmem>>) semaphore(%arg12 : memref<!tpu.dma_semaphore, #tpu.memory_space<semaphore_mem>>)
    "tpu.region"() ({
      %run_scoped3A = tpu.sem_alloc : memref<!tpu.dma_semaphore, #tpu.memory_space<semaphore_mem>>
      %dma_start3A_142 = tpu.memref_slice %arg7[%add3A_71] : memref<8192xi32, #tpu.memory_space<hbm>> -> memref<128xi32, #tpu.memory_space<hbm>>
      %dma_start3A_143 = tpu.memref_slice %arg7[%add3A_71] : memref<8192xi32, #tpu.memory_space<hbm>> -> memref<128xi32, #tpu.memory_space<hbm>>
      tpu.enqueue_dma source(%arg10 : memref<128xi32, #tpu.memory_space<vmem>>) target(%dma_start3A_143 : memref<128xi32, #tpu.memory_space<hbm>>) target_semaphore(%run_scoped3A : memref<!tpu.dma_semaphore, #tpu.memory_space<semaphore_mem>>)
      %dma_wait3A_144 = tpu.memref_slice %arg7[%add3A_71] : memref<8192xi32, #tpu.memory_space<hbm>> -> memref<128xi32, #tpu.memory_space<hbm>>
      %dma_wait3A_145 = tpu.memref_slice %arg7[%add3A_71] : memref<8192xi32, #tpu.memory_space<hbm>> -> memref<128xi32, #tpu.memory_space<hbm>>
      tpu.wait_dma2 semaphore(%run_scoped3A : memref<!tpu.dma_semaphore, #tpu.memory_space<semaphore_mem>>) src(%arg10 : memref<128xi32, #tpu.memory_space<vmem>>) dst(%dma_wait3A_145 : memref<128xi32, #tpu.memory_space<hbm>>)
      tpu.yield
    }) : () -> ()
    %dma_wait3A_139 = arith.constant 0 : i32
    %dma_wait3A_140 = arith.constant 0 : i32
    %dma_wait3A_141 = tpu.memref_slice %arg6[%dma_wait3A_139, %dma_wait3A_140] : memref<8192x768xf32, #tpu.memory_space<hbm>> -> memref<8192x768xf32, #tpu.memory_space<hbm>>
    tpu.wait_indirect_dma semaphore(%arg12 : memref<!tpu.dma_semaphore, #tpu.memory_space<semaphore_mem>>) src(%arg11 : memref<128x768xf32, #tpu.memory_space<vmem>>) dst(%dma_wait3A_141 : memref<8192x768xf32, #tpu.memory_space<hbm>>)
    return
  }
}

module attributes {stable_mosaic.version = 14 : i64} {
  func.func @_gate_body(%arg0: i32, %arg1: memref<1024x768xf32, #tpu.memory_space<vmem>>, %arg2: memref<16x768xf32, #tpu.memory_space<vmem>>, %arg3: memref<1x16xf32, #tpu.memory_space<vmem>>, %arg4: memref<1024x1xi32, #tpu.memory_space<vmem>>, %arg5: memref<1024x1xi32, #tpu.memory_space<vmem>>, %arg6: memref<1x16xi32, #tpu.memory_space<vmem>>, %arg7: memref<1x16xi32, #tpu.memory_space<vmem>>, %arg8: memref<32x1xi32, #tpu.memory_space<vmem>>, %arg9: memref<32x1xi32, #tpu.memory_space<vmem>>, %arg10: memref<32x1xi32, #tpu.memory_space<vmem>>, %arg11: memref<32x1xi32, #tpu.memory_space<vmem>>, %arg12: memref<32x1xi32, #tpu.memory_space<vmem>>, %arg13: memref<1x16xf32, #tpu.memory_space<vmem>>) attributes {dimension_semantics = [#tpu.dimension_semantics<arbitrary>], iteration_bounds = array<i64: 8>, scalar_prefetch = 0 : i64, scratch_operands = 1 : i64, tpu.core_type = #tpu.core_type<tc>, window_params = [{transform_indices = @transform_0, window_bounds = array<i64: 1024, 768>}, {pipeline_mode = #tpu.pipeline_mode<synchronous>, transform_indices = @transform_1, window_bounds = array<i64: 16, 768>}, {pipeline_mode = #tpu.pipeline_mode<synchronous>, transform_indices = @transform_2, window_bounds = array<i64: 1, 16>}, {transform_indices = @transform_3, window_bounds = array<i64: 1024, 1>}, {transform_indices = @transform_4, window_bounds = array<i64: 1024, 1>}, {pipeline_mode = #tpu.pipeline_mode<synchronous>, transform_indices = @transform_5, window_bounds = array<i64: 1, 16>}, {pipeline_mode = #tpu.pipeline_mode<synchronous>, transform_indices = @transform_6, window_bounds = array<i64: 1, 16>}, {pipeline_mode = #tpu.pipeline_mode<synchronous>, transform_indices = @transform_7, window_bounds = array<i64: 32, 1>}, {pipeline_mode = #tpu.pipeline_mode<synchronous>, transform_indices = @transform_8, window_bounds = array<i64: 32, 1>}, {pipeline_mode = #tpu.pipeline_mode<synchronous>, transform_indices = @transform_9, window_bounds = array<i64: 32, 1>}, {pipeline_mode = #tpu.pipeline_mode<synchronous>, transform_indices = @transform_10, window_bounds = array<i64: 32, 1>}, {pipeline_mode = #tpu.pipeline_mode<synchronous>, transform_indices = @transform_11, window_bounds = array<i64: 32, 1>}]} {
    %eq3A = arith.constant 0 : i32
    %eq3A_0 = arith.cmpi eq, %arg0, %eq3A : i32
    %convert_element_type3A = arith.extui %eq3A_0 : i1 to i32
    %cond3A = arith.constant 0 : i32
    %cond3A_1 = arith.cmpi ne, %convert_element_type3A, %cond3A : i32
    scf.if %cond3A_1 {
      %broadcast_in_dim3A_179 = arith.constant 0.000000e+00 : f32
      %broadcast_in_dim3A_180 = vector.broadcast %broadcast_in_dim3A_179 : f32 to vector<1x16xf32>
      %swap3A_181 = arith.constant 0 : index
      %swap3A_182 = arith.constant 0 : index
      %swap3A_183 = vector.load %arg13[%swap3A_181, %swap3A_182] : memref<1x16xf32, #tpu.memory_space<vmem>>, vector<1x16xf32>
      tpu.vector_store %arg13[%swap3A_181, %swap3A_182], %broadcast_in_dim3A_180 {strides = array<i32>} : memref<1x16xf32, #tpu.memory_space<vmem>>, vector<1x16xf32>,
    } else {
    }
    %get3A = arith.constant 0 : index
    %get3A_2 = arith.constant 0 : index
    %get3A_3 = vector.load %arg1[%get3A, %get3A_2] : memref<1024x768xf32, #tpu.memory_space<vmem>>, vector<1024x768xf32>
    %get3A_4 = arith.constant 0 : index
    %get3A_5 = arith.constant 0 : index
    %get3A_6 = vector.load %arg2[%get3A_4, %get3A_5] : memref<16x768xf32, #tpu.memory_space<vmem>>, vector<16x768xf32>
    %dot_general3A = arith.constant dense<0.000000e+00> : vector<1024x16xf32>
    %dot_general3A_7 = tpu.matmul %get3A_3, %get3A_6, %dot_general3A {dimension_numbers = #tpu.dot_dimension_numbers<[1], [1], [0], [0], [0, 0, 1, 0], [], []>, transpose_lhs_hint = false} : vector<1024x768xf32>, vector<16x768xf32>, vector<1024x16xf32> -> vector<1024x16xf32>
    %get3A_8 = arith.constant 0 : index
    %get3A_9 = arith.constant 0 : index
    %get3A_10 = vector.load %arg3[%get3A_8, %get3A_9] : memref<1x16xf32, #tpu.memory_space<vmem>>, vector<1x16xf32>
    %add3A = vector.broadcast %get3A_10 : vector<1x16xf32> to vector<1024x16xf32>
    %add3A_11 = arith.addf %dot_general3A_7, %add3A : vector<1024x16xf32>
    %reduce_max3A = arith.constant dense<0xFF800000> : vector<1024xf32>
    %reduce_max3A_12 = vector.multi_reduction <maximumf>, %add3A_11, %reduce_max3A [1] : vector<1024x16xf32> to vector<1024xf32>
    %broadcast_in_dim3A = vector.shape_cast %reduce_max3A_12 : vector<1024xf32> to vector<1024x1xf32>
    %iota3A = tpu.iota {dimensions = array<i32: 1>} : vector<1024x16xi32>
    %eq3A_13 = vector.broadcast %broadcast_in_dim3A : vector<1024x1xf32> to vector<1024x16xf32>
    %eq3A_14 = arith.cmpf oeq, %add3A_11, %eq3A_13 : vector<1024x16xf32>
    %jit3A = arith.constant 16 : i32
    %broadcast_in_dim3A_15 = vector.broadcast %jit3A : i32 to vector<1024x16xi32>
    %select_n3A = arith.select %eq3A_14, %iota3A, %broadcast_in_dim3A_15 : vector<1024x16xi1>, vector<1024x16xi32>
    %reduce_min3A = arith.constant dense<2147483647> : vector<1024xi32>
    %reduce_min3A_16 = vector.multi_reduction <minsi>, %select_n3A, %reduce_min3A [1] : vector<1024x16xi32> to vector<1024xi32>
    %broadcast_in_dim3A_17 = vector.shape_cast %reduce_min3A_16 : vector<1024xi32> to vector<1024x1xi32>
    %eq3A_18 = vector.broadcast %broadcast_in_dim3A_17 : vector<1024x1xi32> to vector<1024x16xi32>
    %eq3A_19 = arith.cmpi eq, %iota3A, %eq3A_18 : vector<1024x16xi32>
    %convert_element_type3A_20 = arith.extui %eq3A_19 : vector<1024x16xi1> to vector<1024x16xi32>
    %convert_element_type3A_21 = arith.sitofp %convert_element_type3A_20 : vector<1024x16xi32> to vector<1024x16xf32>
    %get3A_22 = arith.constant 0 : index
    %get3A_23 = arith.constant 0 : index
    %get3A_24 = vector.load %arg13[%get3A_22, %get3A_23] : memref<1x16xf32, #tpu.memory_space<vmem>>, vector<1x16xf32>
    %mul3A = vector.broadcast %get3A_24 : vector<1x16xf32> to vector<1024x16xf32>
    %mul3A_25 = arith.mulf %convert_element_type3A_21, %mul3A : vector<1024x16xf32>
    %reduce_sum3A = arith.constant dense<0.000000e+00> : vector<1024xf32>
    %reduce_sum3A_26 = vector.multi_reduction <add>, %mul3A_25, %reduce_sum3A [1] : vector<1024x16xf32> to vector<1024xf32>
    %broadcast_in_dim3A_27 = vector.shape_cast %reduce_sum3A_26 : vector<1024xf32> to vector<1024x1xf32>
    %iota3A_28 = tpu.iota {dimensions = array<i32: 0>} : vector<1024x1024xi32>
    %iota3A_29 = tpu.iota {dimensions = array<i32: 1>} : vector<1024x1024xi32>
    %lt3A = arith.cmpi slt, %iota3A_29, %iota3A_28 : vector<1024x1024xi32>
    %convert_element_type3A_30 = arith.extui %lt3A : vector<1024x1024xi1> to vector<1024x1024xi32>
    %convert_element_type3A_31 = arith.sitofp %convert_element_type3A_30 : vector<1024x1024xi32> to vector<1024x1024xf32>
    %dot_general3A_32 = arith.constant dense<0.000000e+00> : vector<1024x16xf32>
    %dot_general3A_33 = tpu.matmul %convert_element_type3A_31, %convert_element_type3A_21, %dot_general3A_32 {dimension_numbers = #tpu.dot_dimension_numbers<[1], [0], [0], [1], [0, 0, 1, 1], [], []>, transpose_lhs_hint = false} : vector<1024x1024xf32>, vector<1024x16xf32>, vector<1024x16xf32> -> vector<1024x16xf32>
    %mul3A_34 = arith.mulf %dot_general3A_33, %convert_element_type3A_21 : vector<1024x16xf32>
    %reduce_sum3A_35 = arith.constant dense<0.000000e+00> : vector<1024xf32>
    %reduce_sum3A_36 = vector.multi_reduction <add>, %mul3A_34, %reduce_sum3A_35 [1] : vector<1024x16xf32> to vector<1024xf32>
    %broadcast_in_dim3A_37 = vector.shape_cast %reduce_sum3A_36 : vector<1024xf32> to vector<1024x1xf32>
    %swap3A = arith.constant 0 : index
    %swap3A_38 = arith.constant 0 : index
    %swap3A_39 = vector.load %arg4[%swap3A, %swap3A_38] : memref<1024x1xi32, #tpu.memory_space<vmem>>, vector<1024x1xi32>
    tpu.vector_store %arg4[%swap3A, %swap3A_38], %broadcast_in_dim3A_17 {strides = array<i32>} : memref<1024x1xi32, #tpu.memory_space<vmem>>, vector<1024x1xi32>,
    %add3A_40 = arith.addf %broadcast_in_dim3A_27, %broadcast_in_dim3A_37 : vector<1024x1xf32>
    %convert_element_type3A_41 = arith.fptosi %add3A_40 : vector<1024x1xf32> to vector<1024x1xi32>
    %swap3A_42 = arith.constant 0 : index
    %swap3A_43 = arith.constant 0 : index
    %swap3A_44 = vector.load %arg5[%swap3A_42, %swap3A_43] : memref<1024x1xi32, #tpu.memory_space<vmem>>, vector<1024x1xi32>
    tpu.vector_store %arg5[%swap3A_42, %swap3A_43], %convert_element_type3A_41 {strides = array<i32>} : memref<1024x1xi32, #tpu.memory_space<vmem>>, vector<1024x1xi32>,
    %reduce_sum3A_45 = arith.constant dense<0.000000e+00> : vector<16xf32>
    %reduce_sum3A_46 = vector.multi_reduction <add>, %convert_element_type3A_21, %reduce_sum3A_45 [0] : vector<1024x16xf32> to vector<16xf32>
    %broadcast_in_dim3A_47 = vector.shape_cast %reduce_sum3A_46 : vector<16xf32> to vector<1x16xf32>
    %add3A_48 = arith.addf %get3A_24, %broadcast_in_dim3A_47 : vector<1x16xf32>
    %swap3A_49 = arith.constant 0 : index
    %swap3A_50 = arith.constant 0 : index
    %swap3A_51 = vector.load %arg13[%swap3A_49, %swap3A_50] : memref<1x16xf32, #tpu.memory_space<vmem>>, vector<1x16xf32>
    tpu.vector_store %arg13[%swap3A_49, %swap3A_50], %add3A_48 {strides = array<i32>} : memref<1x16xf32, #tpu.memory_space<vmem>>, vector<1x16xf32>,
    %convert_element_type3A_52 = arith.fptosi %add3A_48 : vector<1x16xf32> to vector<1x16xi32>
    %swap3A_53 = arith.constant 0 : index
    %swap3A_54 = arith.constant 0 : index
    %swap3A_55 = vector.load %arg6[%swap3A_53, %swap3A_54] : memref<1x16xi32, #tpu.memory_space<vmem>>, vector<1x16xi32>
    tpu.vector_store %arg6[%swap3A_53, %swap3A_54], %convert_element_type3A_52 {strides = array<i32>} : memref<1x16xi32, #tpu.memory_space<vmem>>, vector<1x16xi32>,
    %iota3A_56 = tpu.iota {dimensions = array<i32: 0>} : vector<16x16xi32>
    %iota3A_57 = tpu.iota {dimensions = array<i32: 1>} : vector<16x16xi32>
    %lt3A_58 = arith.cmpi slt, %iota3A_56, %iota3A_57 : vector<16x16xi32>
    %convert_element_type3A_59 = arith.extui %lt3A_58 : vector<16x16xi1> to vector<16x16xi32>
    %convert_element_type3A_60 = arith.sitofp %convert_element_type3A_59 : vector<16x16xi32> to vector<16x16xf32>
    %dot_general3A_61 = arith.constant dense<0.000000e+00> : vector<1x16xf32>
    %dot_general3A_62 = tpu.matmul %add3A_48, %convert_element_type3A_60, %dot_general3A_61 {dimension_numbers = #tpu.dot_dimension_numbers<[1], [0], [0], [1], [0, 0, 1, 1], [], []>, precision = #tpu.contract_precision<fp32>, transpose_lhs_hint = false} : vector<1x16xf32>, vector<16x16xf32>, vector<1x16xf32> -> vector<1x16xf32>
    %convert_element_type3A_63 = arith.fptosi %dot_general3A_62 : vector<1x16xf32> to vector<1x16xi32>
    %swap3A_64 = arith.constant 0 : index
    %swap3A_65 = arith.constant 0 : index
    %swap3A_66 = vector.load %arg7[%swap3A_64, %swap3A_65] : memref<1x16xi32, #tpu.memory_space<vmem>>, vector<1x16xi32>
    tpu.vector_store %arg7[%swap3A_64, %swap3A_65], %convert_element_type3A_63 {strides = array<i32>} : memref<1x16xi32, #tpu.memory_space<vmem>>, vector<1x16xi32>,
    %div3A = arith.constant 5.120000e+02 : f32
    %div3A_67 = vector.broadcast %div3A : f32 to vector<1x16xf32>
    %div3A_68 = arith.divf %dot_general3A_62, %div3A_67 : vector<1x16xf32>
    %floor3A = math.floor %div3A_68 : vector<1x16xf32>
    %add3A_69 = arith.addf %dot_general3A_62, %add3A_48 : vector<1x16xf32>
    %sub3A = arith.constant 1.000000e+00 : f32
    %sub3A_70 = vector.broadcast %sub3A : f32 to vector<1x16xf32>
    %sub3A_71 = arith.subf %add3A_69, %sub3A_70 : vector<1x16xf32>
    %div3A_72 = arith.constant 5.120000e+02 : f32
    %div3A_73 = vector.broadcast %div3A_72 : f32 to vector<1x16xf32>
    %div3A_74 = arith.divf %sub3A_71, %div3A_73 : vector<1x16xf32>
    %floor3A_75 = math.floor %div3A_74 : vector<1x16xf32>
    %gt3A = arith.constant 0.000000e+00 : f32
    %gt3A_76 = vector.broadcast %gt3A : f32 to vector<1x16xf32>
    %gt3A_77 = arith.cmpf ogt, %add3A_48, %gt3A_76 : vector<1x16xf32>
    %sub3A_78 = arith.subf %floor3A_75, %floor3A : vector<1x16xf32>
    %add3A_79 = arith.constant 1.000000e+00 : f32
    %add3A_80 = vector.broadcast %add3A_79 : f32 to vector<1x16xf32>
    %add3A_81 = arith.addf %sub3A_78, %add3A_80 : vector<1x16xf32>
    %jit3A_82 = arith.constant 0.000000e+00 : f32
    %broadcast_in_dim3A_83 = vector.broadcast %jit3A_82 : f32 to vector<1x16xf32>
    %select_n3A_84 = arith.select %gt3A_77, %add3A_81, %broadcast_in_dim3A_83 : vector<1x16xi1>, vector<1x16xf32>
    %le3A = arith.cmpi sle, %iota3A_56, %iota3A_57 : vector<16x16xi32>
    %convert_element_type3A_85 = arith.extui %le3A : vector<16x16xi1> to vector<16x16xi32>
    %convert_element_type3A_86 = arith.sitofp %convert_element_type3A_85 : vector<16x16xi32> to vector<16x16xf32>
    %dot_general3A_87 = arith.constant dense<0.000000e+00> : vector<1x16xf32>
    %dot_general3A_88 = tpu.matmul %select_n3A_84, %convert_element_type3A_86, %dot_general3A_87 {dimension_numbers = #tpu.dot_dimension_numbers<[1], [0], [0], [1], [0, 0, 1, 1], [], []>, transpose_lhs_hint = false} : vector<1x16xf32>, vector<16x16xf32>, vector<1x16xf32> -> vector<1x16xf32>
    %sub3A_89 = arith.subf %dot_general3A_88, %select_n3A_84 : vector<1x16xf32>
    %slice3A = vector.extract_strided_slice %dot_general3A_88 {offsets = [0, 15], sizes = [1, 1], strides = [1, 1]} : vector<1x16xf32> to vector<1x1xf32>
    %iota3A_90 = tpu.iota {dimensions = array<i32: 0>} : vector<32x1xi32>
    %convert_element_type3A_91 = arith.sitofp %iota3A_90 : vector<32x1xi32> to vector<32x1xf32>
    %iota3A_92 = tpu.iota {dimensions = array<i32: 0>} : vector<32x16xi32>
    %convert_element_type3A_93 = arith.sitofp %iota3A_92 : vector<32x16xi32> to vector<32x16xf32>
    %ge3A = vector.broadcast %dot_general3A_88 : vector<1x16xf32> to vector<32x16xf32>
    %ge3A_94 = arith.cmpf oge, %convert_element_type3A_93, %ge3A : vector<32x16xf32>
    %convert_element_type3A_95 = arith.extui %ge3A_94 : vector<32x16xi1> to vector<32x16xi32>
    %convert_element_type3A_96 = arith.sitofp %convert_element_type3A_95 : vector<32x16xi32> to vector<32x16xf32>
    %reduce_sum3A_97 = arith.constant dense<0.000000e+00> : vector<32xf32>
    %reduce_sum3A_98 = vector.multi_reduction <add>, %convert_element_type3A_96, %reduce_sum3A_97 [1] : vector<32x16xf32> to vector<32xf32>
    %broadcast_in_dim3A_99 = vector.shape_cast %reduce_sum3A_98 : vector<32xf32> to vector<32x1xf32>
    %lt3A_100 = vector.broadcast %slice3A : vector<1x1xf32> to vector<32x1xf32>
    %lt3A_101 = arith.cmpf olt, %convert_element_type3A_91, %lt3A_100 : vector<32x1xf32>
    %min3A = arith.constant 1.500000e+01 : f32
    %min3A_102 = vector.broadcast %min3A : f32 to vector<32x1xf32>
    %min3A_103 = arith.minimumf %broadcast_in_dim3A_99, %min3A_102 : vector<32x1xf32>
    %jit3A_104 = arith.constant 1.500000e+01 : f32
    %broadcast_in_dim3A_105 = vector.broadcast %jit3A_104 : f32 to vector<32x1xf32>
    %select_n3A_106 = arith.select %lt3A_101, %min3A_103, %broadcast_in_dim3A_105 : vector<32x1xi1>, vector<32x1xf32>
    %iota3A_107 = tpu.iota {dimensions = array<i32: 1>} : vector<32x16xi32>
    %convert_element_type3A_108 = arith.sitofp %iota3A_107 : vector<32x16xi32> to vector<32x16xf32>
    %eq3A_109 = vector.broadcast %select_n3A_106 : vector<32x1xf32> to vector<32x16xf32>
    %eq3A_110 = arith.cmpf oeq, %convert_element_type3A_108, %eq3A_109 : vector<32x16xf32>
    %convert_element_type3A_111 = arith.extui %eq3A_110 : vector<32x16xi1> to vector<32x16xi32>
    %convert_element_type3A_112 = arith.sitofp %convert_element_type3A_111 : vector<32x16xi32> to vector<32x16xf32>
    %mul3A_113 = vector.broadcast %floor3A : vector<1x16xf32> to vector<32x16xf32>
    %mul3A_114 = arith.mulf %convert_element_type3A_112, %mul3A_113 : vector<32x16xf32>
    %reduce_sum3A_115 = arith.constant dense<0.000000e+00> : vector<32xf32>
    %reduce_sum3A_116 = vector.multi_reduction <add>, %mul3A_114, %reduce_sum3A_115 [1] : vector<32x16xf32> to vector<32xf32>
    %broadcast_in_dim3A_117 = vector.shape_cast %reduce_sum3A_116 : vector<32xf32> to vector<32x1xf32>
    %mul3A_118 = vector.broadcast %sub3A_89 : vector<1x16xf32> to vector<32x16xf32>
    %mul3A_119 = arith.mulf %convert_element_type3A_112, %mul3A_118 : vector<32x16xf32>
    %reduce_sum3A_120 = arith.constant dense<0.000000e+00> : vector<32xf32>
    %reduce_sum3A_121 = vector.multi_reduction <add>, %mul3A_119, %reduce_sum3A_120 [1] : vector<32x16xf32> to vector<32xf32>
    %broadcast_in_dim3A_122 = vector.shape_cast %reduce_sum3A_121 : vector<32xf32> to vector<32x1xf32>
    %mul3A_123 = vector.broadcast %dot_general3A_62 : vector<1x16xf32> to vector<32x16xf32>
    %mul3A_124 = arith.mulf %convert_element_type3A_112, %mul3A_123 : vector<32x16xf32>
    %reduce_sum3A_125 = arith.constant dense<0.000000e+00> : vector<32xf32>
    %reduce_sum3A_126 = vector.multi_reduction <add>, %mul3A_124, %reduce_sum3A_125 [1] : vector<32x16xf32> to vector<32xf32>
    %broadcast_in_dim3A_127 = vector.shape_cast %reduce_sum3A_126 : vector<32xf32> to vector<32x1xf32>
    %add3A_128 = arith.addf %dot_general3A_62, %add3A_48 : vector<1x16xf32>
    %mul3A_129 = vector.broadcast %add3A_128 : vector<1x16xf32> to vector<32x16xf32>
    %mul3A_130 = arith.mulf %convert_element_type3A_112, %mul3A_129 : vector<32x16xf32>
    %reduce_sum3A_131 = arith.constant dense<0.000000e+00> : vector<32xf32>
    %reduce_sum3A_132 = vector.multi_reduction <add>, %mul3A_130, %reduce_sum3A_131 [1] : vector<32x16xf32> to vector<32xf32>
    %broadcast_in_dim3A_133 = vector.shape_cast %reduce_sum3A_132 : vector<32xf32> to vector<32x1xf32>
    %sub3A_134 = arith.subf %convert_element_type3A_91, %broadcast_in_dim3A_122 : vector<32x1xf32>
    %add3A_135 = arith.addf %broadcast_in_dim3A_117, %sub3A_134 : vector<32x1xf32>
    %jit3A_136 = arith.constant 1.500000e+01 : f32
    %broadcast_in_dim3A_137 = vector.broadcast %jit3A_136 : f32 to vector<32x1xf32>
    %select_n3A_138 = arith.select %lt3A_101, %add3A_135, %broadcast_in_dim3A_137 : vector<32x1xi1>, vector<32x1xf32>
    %mul3A_139 = arith.constant 5.120000e+02 : f32
    %mul3A_140 = vector.broadcast %mul3A_139 : f32 to vector<32x1xf32>
    %mul3A_141 = arith.mulf %select_n3A_138, %mul3A_140 : vector<32x1xf32>
    %max3A = arith.maximumf %broadcast_in_dim3A_127, %mul3A_141 : vector<32x1xf32>
    %jit3A_142 = arith.constant 0.000000e+00 : f32
    %broadcast_in_dim3A_143 = vector.broadcast %jit3A_142 : f32 to vector<32x1xf32>
    %select_n3A_144 = arith.select %lt3A_101, %max3A, %broadcast_in_dim3A_143 : vector<32x1xi1>, vector<32x1xf32>
    %add3A_145 = arith.constant 1.000000e+00 : f32
    %add3A_146 = vector.broadcast %add3A_145 : f32 to vector<32x1xf32>
    %add3A_147 = arith.addf %select_n3A_138, %add3A_146 : vector<32x1xf32>
    %mul3A_148 = arith.constant 5.120000e+02 : f32
    %mul3A_149 = vector.broadcast %mul3A_148 : f32 to vector<32x1xf32>
    %mul3A_150 = arith.mulf %add3A_147, %mul3A_149 : vector<32x1xf32>
    %min3A_151 = arith.minimumf %broadcast_in_dim3A_133, %mul3A_150 : vector<32x1xf32>
    %jit3A_152 = arith.constant 0.000000e+00 : f32
    %broadcast_in_dim3A_153 = vector.broadcast %jit3A_152 : f32 to vector<32x1xf32>
    %select_n3A_154 = arith.select %lt3A_101, %min3A_151, %broadcast_in_dim3A_153 : vector<32x1xi1>, vector<32x1xf32>
    %mul3A_155 = arith.constant 5.120000e+02 : f32
    %mul3A_156 = vector.broadcast %mul3A_155 : f32 to vector<32x1xf32>
    %mul3A_157 = arith.mulf %select_n3A_138, %mul3A_156 : vector<32x1xf32>
    %eq3A_158 = arith.cmpf oeq, %select_n3A_144, %mul3A_157 : vector<32x1xf32>
    %convert_element_type3A_159 = arith.extui %eq3A_158 : vector<32x1xi1> to vector<32x1xi32>
    %convert_element_type3A_160 = arith.fptosi %select_n3A_138 : vector<32x1xf32> to vector<32x1xi32>
    %swap3A_161 = arith.constant 0 : index
    %swap3A_162 = arith.constant 0 : index
    %swap3A_163 = vector.load %arg8[%swap3A_161, %swap3A_162] : memref<32x1xi32, #tpu.memory_space<vmem>>, vector<32x1xi32>
    tpu.vector_store %arg8[%swap3A_161, %swap3A_162], %convert_element_type3A_160 {strides = array<i32>} : memref<32x1xi32, #tpu.memory_space<vmem>>, vector<32x1xi32>,
    %convert_element_type3A_164 = arith.fptosi %select_n3A_106 : vector<32x1xf32> to vector<32x1xi32>
    %swap3A_165 = arith.constant 0 : index
    %swap3A_166 = arith.constant 0 : index
    %swap3A_167 = vector.load %arg9[%swap3A_165, %swap3A_166] : memref<32x1xi32, #tpu.memory_space<vmem>>, vector<32x1xi32>
    tpu.vector_store %arg9[%swap3A_165, %swap3A_166], %convert_element_type3A_164 {strides = array<i32>} : memref<32x1xi32, #tpu.memory_space<vmem>>, vector<32x1xi32>,
    %convert_element_type3A_168 = arith.fptosi %select_n3A_144 : vector<32x1xf32> to vector<32x1xi32>
    %swap3A_169 = arith.constant 0 : index
    %swap3A_170 = arith.constant 0 : index
    %swap3A_171 = vector.load %arg10[%swap3A_169, %swap3A_170] : memref<32x1xi32, #tpu.memory_space<vmem>>, vector<32x1xi32>
    tpu.vector_store %arg10[%swap3A_169, %swap3A_170], %convert_element_type3A_168 {strides = array<i32>} : memref<32x1xi32, #tpu.memory_space<vmem>>, vector<32x1xi32>,
    %convert_element_type3A_172 = arith.fptosi %select_n3A_154 : vector<32x1xf32> to vector<32x1xi32>
    %swap3A_173 = arith.constant 0 : index
    %swap3A_174 = arith.constant 0 : index
    %swap3A_175 = vector.load %arg11[%swap3A_173, %swap3A_174] : memref<32x1xi32, #tpu.memory_space<vmem>>, vector<32x1xi32>
    tpu.vector_store %arg11[%swap3A_173, %swap3A_174], %convert_element_type3A_172 {strides = array<i32>} : memref<32x1xi32, #tpu.memory_space<vmem>>, vector<32x1xi32>,
    %swap3A_176 = arith.constant 0 : index
    %swap3A_177 = arith.constant 0 : index
    %swap3A_178 = vector.load %arg12[%swap3A_176, %swap3A_177] : memref<32x1xi32, #tpu.memory_space<vmem>>, vector<32x1xi32>
    tpu.vector_store %arg12[%swap3A_176, %swap3A_177], %convert_element_type3A_159 {strides = array<i32>} : memref<32x1xi32, #tpu.memory_space<vmem>>, vector<32x1xi32>,
    return
  }
  func.func @transform_0(%arg0: i32) -> (i32, i32) {
    %c0_i32 = arith.constant 0 : i32
    %c0_i32_0 = arith.constant 0 : i32
    return %arg0, %c0_i32 : i32, i32
  }
  func.func @transform_1(%arg0: i32) -> (i32, i32) {
    %c0_i32 = arith.constant 0 : i32
    %c0_i32_0 = arith.constant 0 : i32
    %c0_i32_1 = arith.constant 0 : i32
    return %c0_i32, %c0_i32_0 : i32, i32
  }
  func.func @transform_2(%arg0: i32) -> (i32, i32) {
    %c0_i32 = arith.constant 0 : i32
    %c0_i32_0 = arith.constant 0 : i32
    %c0_i32_1 = arith.constant 0 : i32
    return %c0_i32, %c0_i32_0 : i32, i32
  }
  func.func @transform_3(%arg0: i32) -> (i32, i32) {
    %c0_i32 = arith.constant 0 : i32
    %c0_i32_0 = arith.constant 0 : i32
    return %arg0, %c0_i32 : i32, i32
  }
  func.func @transform_4(%arg0: i32) -> (i32, i32) {
    %c0_i32 = arith.constant 0 : i32
    %c0_i32_0 = arith.constant 0 : i32
    return %arg0, %c0_i32 : i32, i32
  }
  func.func @transform_5(%arg0: i32) -> (i32, i32) {
    %c0_i32 = arith.constant 0 : i32
    %c0_i32_0 = arith.constant 0 : i32
    %c0_i32_1 = arith.constant 0 : i32
    return %c0_i32, %c0_i32_0 : i32, i32
  }
  func.func @transform_6(%arg0: i32) -> (i32, i32) {
    %c0_i32 = arith.constant 0 : i32
    %c0_i32_0 = arith.constant 0 : i32
    %c0_i32_1 = arith.constant 0 : i32
    return %c0_i32, %c0_i32_0 : i32, i32
  }
  func.func @transform_7(%arg0: i32) -> (i32, i32) {
    %c0_i32 = arith.constant 0 : i32
    %c0_i32_0 = arith.constant 0 : i32
    %c0_i32_1 = arith.constant 0 : i32
    return %c0_i32, %c0_i32_0 : i32, i32
  }
  func.func @transform_8(%arg0: i32) -> (i32, i32) {
    %c0_i32 = arith.constant 0 : i32
    %c0_i32_0 = arith.constant 0 : i32
    %c0_i32_1 = arith.constant 0 : i32
    return %c0_i32, %c0_i32_0 : i32, i32
  }
  func.func @transform_9(%arg0: i32) -> (i32, i32) {
    %c0_i32 = arith.constant 0 : i32
    %c0_i32_0 = arith.constant 0 : i32
    %c0_i32_1 = arith.constant 0 : i32
    return %c0_i32, %c0_i32_0 : i32, i32
  }
  func.func @transform_10(%arg0: i32) -> (i32, i32) {
    %c0_i32 = arith.constant 0 : i32
    %c0_i32_0 = arith.constant 0 : i32
    %c0_i32_1 = arith.constant 0 : i32
    return %c0_i32, %c0_i32_0 : i32, i32
  }
  func.func @transform_11(%arg0: i32) -> (i32, i32) {
    %c0_i32 = arith.constant 0 : i32
    %c0_i32_0 = arith.constant 0 : i32
    %c0_i32_1 = arith.constant 0 : i32
    return %c0_i32, %c0_i32_0 : i32, i32
  }
}

module attributes {stable_mosaic.version = 14 : i64} {
  func.func @_mlp_body(%arg0: i32, %arg1: memref<32xi32, #tpu.memory_space<smem>>, %arg2: memref<32xi32, #tpu.memory_space<smem>>, %arg3: memref<32xi32, #tpu.memory_space<smem>>, %arg4: memref<32xi32, #tpu.memory_space<smem>>, %arg5: memref<32xi32, #tpu.memory_space<smem>>, %arg6: memref<512x768xf32, #tpu.memory_space<vmem>>, %arg7: memref<1x128x768xf32, #tpu.memory_space<vmem>>, %arg8: memref<1x1x128xf32, #tpu.memory_space<vmem>>, %arg9: memref<1x128x128xf32, #tpu.memory_space<vmem>>, %arg10: memref<1x1x128xf32, #tpu.memory_space<vmem>>, %arg11: memref<1x1x128xf32, #tpu.memory_space<vmem>>, %arg12: memref<512x1xf32, #tpu.memory_space<vmem>>) attributes {dimension_semantics = [#tpu.dimension_semantics<arbitrary>], iteration_bounds = array<i64: 32>, scalar_prefetch = 5 : i64, scratch_operands = 0 : i64, tpu.core_type = #tpu.core_type<tc>, window_params = [{transform_indices = @transform_0, window_bounds = array<i64: 512, 768>}, {transform_indices = @transform_1, window_bounds = array<i64: 1, 128, 768>}, {transform_indices = @transform_2, window_bounds = array<i64: 1, 1, 128>}, {transform_indices = @transform_3, window_bounds = array<i64: 1, 128, 128>}, {transform_indices = @transform_4, window_bounds = array<i64: 1, 1, 128>}, {transform_indices = @transform_5, window_bounds = array<i64: 1, 1, 128>}, {transform_indices = @transform_6, window_bounds = array<i64: 512, 1>}]} {
    %get3A = arith.constant 0 : index
    %get3A_0 = arith.constant 0 : index
    %get3A_1 = vector.load %arg6[%get3A, %get3A_0] : memref<512x768xf32, #tpu.memory_space<vmem>>, vector<512x768xf32>
    %get3A_2 = arith.constant 0 : index
    %get3A_3 = arith.constant 0 : index
    %get3A_4 = arith.constant 0 : index
    %get3A_5 = vector.load %arg7[%get3A_2, %get3A_3, %get3A_4] : memref<1x128x768xf32, #tpu.memory_space<vmem>>, vector<1x128x768xf32>
    %get3A_6 = vector.shape_cast %get3A_5 : vector<1x128x768xf32> to vector<128x768xf32>
    %dot_general3A = arith.constant dense<0.000000e+00> : vector<512x128xf32>
    %dot_general3A_7 = tpu.matmul %get3A_1, %get3A_6, %dot_general3A {dimension_numbers = #tpu.dot_dimension_numbers<[1], [1], [0], [0], [0, 0, 1, 0], [], []>, transpose_lhs_hint = false} : vector<512x768xf32>, vector<128x768xf32>, vector<512x128xf32> -> vector<512x128xf32>
    %get3A_8 = arith.constant 0 : index
    %get3A_9 = arith.constant 0 : index
    %get3A_10 = arith.constant 0 : index
    %get3A_11 = vector.load %arg8[%get3A_8, %get3A_9, %get3A_10] : memref<1x1x128xf32, #tpu.memory_space<vmem>>, vector<1x1x128xf32>
    %get3A_12 = vector.shape_cast %get3A_11 : vector<1x1x128xf32> to vector<1x128xf32>
    %add3A = vector.broadcast %get3A_12 : vector<1x128xf32> to vector<512x128xf32>
    %add3A_13 = arith.addf %dot_general3A_7, %add3A : vector<512x128xf32>
    %max3A = arith.constant 0.000000e+00 : f32
    %max3A_14 = vector.broadcast %max3A : f32 to vector<512x128xf32>
    %max3A_15 = arith.maximumf %add3A_13, %max3A_14 : vector<512x128xf32>
    %get3A_16 = arith.constant 0 : index
    %get3A_17 = arith.constant 0 : index
    %get3A_18 = arith.constant 0 : index
    %get3A_19 = vector.load %arg9[%get3A_16, %get3A_17, %get3A_18] : memref<1x128x128xf32, #tpu.memory_space<vmem>>, vector<1x128x128xf32>
    %get3A_20 = vector.shape_cast %get3A_19 : vector<1x128x128xf32> to vector<128x128xf32>
    %dot_general3A_21 = arith.constant dense<0.000000e+00> : vector<512x128xf32>
    %dot_general3A_22 = tpu.matmul %max3A_15, %get3A_20, %dot_general3A_21 {dimension_numbers = #tpu.dot_dimension_numbers<[1], [1], [0], [0], [0, 0, 1, 0], [], []>, transpose_lhs_hint = false} : vector<512x128xf32>, vector<128x128xf32>, vector<512x128xf32> -> vector<512x128xf32>
    %get3A_23 = arith.constant 0 : index
    %get3A_24 = arith.constant 0 : index
    %get3A_25 = arith.constant 0 : index
    %get3A_26 = vector.load %arg10[%get3A_23, %get3A_24, %get3A_25] : memref<1x1x128xf32, #tpu.memory_space<vmem>>, vector<1x1x128xf32>
    %get3A_27 = vector.shape_cast %get3A_26 : vector<1x1x128xf32> to vector<1x128xf32>
    %add3A_28 = vector.broadcast %get3A_27 : vector<1x128xf32> to vector<512x128xf32>
    %add3A_29 = arith.addf %dot_general3A_22, %add3A_28 : vector<512x128xf32>
    %max3A_30 = arith.constant 0.000000e+00 : f32
    %max3A_31 = vector.broadcast %max3A_30 : f32 to vector<512x128xf32>
    %max3A_32 = arith.maximumf %add3A_29, %max3A_31 : vector<512x128xf32>
    %get3A_33 = arith.constant 0 : index
    %get3A_34 = arith.constant 0 : index
    %get3A_35 = arith.constant 0 : index
    %get3A_36 = vector.load %arg11[%get3A_33, %get3A_34, %get3A_35] : memref<1x1x128xf32, #tpu.memory_space<vmem>>, vector<1x1x128xf32>
    %get3A_37 = vector.shape_cast %get3A_36 : vector<1x1x128xf32> to vector<1x128xf32>
    %mul3A = vector.broadcast %get3A_37 : vector<1x128xf32> to vector<512x128xf32>
    %mul3A_38 = arith.mulf %max3A_32, %mul3A : vector<512x128xf32>
    %reduce_sum3A = arith.constant dense<0.000000e+00> : vector<512xf32>
    %reduce_sum3A_39 = vector.multi_reduction <add>, %mul3A_38, %reduce_sum3A [1] : vector<512x128xf32> to vector<512xf32>
    %broadcast_in_dim3A = vector.shape_cast %reduce_sum3A_39 : vector<512xf32> to vector<512x1xf32>
    %get3A_40 = arith.index_cast %arg0 : i32 to index
    %get3A_41 = memref.load %arg1[%get3A_40] : memref<32xi32, #tpu.memory_space<smem>>
    %mul3A_42 = arith.constant 512 : i32
    %mul3A_43 = arith.muli %get3A_41, %mul3A_42 : i32
    %iota3A = tpu.iota {dimensions = array<i32: 0>} : vector<512x1xi32>
    %add3A_44 = vector.broadcast %mul3A_43 : i32 to vector<512x1xi32>
    %add3A_45 = arith.addi %add3A_44, %iota3A : vector<512x1xi32>
    %get3A_46 = arith.index_cast %arg0 : i32 to index
    %get3A_47 = memref.load %arg3[%get3A_46] : memref<32xi32, #tpu.memory_space<smem>>
    %ge3A = vector.broadcast %get3A_47 : i32 to vector<512x1xi32>
    %ge3A_48 = arith.cmpi sge, %add3A_45, %ge3A : vector<512x1xi32>
    %get3A_49 = arith.index_cast %arg0 : i32 to index
    %get3A_50 = memref.load %arg4[%get3A_49] : memref<32xi32, #tpu.memory_space<smem>>
    %lt3A = vector.broadcast %get3A_50 : i32 to vector<512x1xi32>
    %lt3A_51 = arith.cmpi slt, %add3A_45, %lt3A : vector<512x1xi32>
    %and3A = arith.andi %ge3A_48, %lt3A_51 : vector<512x1xi1>
    %jit3A = arith.constant 0.000000e+00 : f32
    %broadcast_in_dim3A_52 = vector.broadcast %jit3A : f32 to vector<512x1xf32>
    %select_n3A = arith.select %and3A, %broadcast_in_dim3A, %broadcast_in_dim3A_52 : vector<512x1xi1>, vector<512x1xf32>
    %get3A_53 = arith.index_cast %arg0 : i32 to index
    %get3A_54 = memref.load %arg5[%get3A_53] : memref<32xi32, #tpu.memory_space<smem>>
    %ne3A = arith.constant 0 : i32
    %ne3A_55 = arith.cmpi ne, %get3A_54, %ne3A : i32
    %convert_element_type3A = arith.extui %ne3A_55 : i1 to i32
    %cond3A = arith.constant 0 : i32
    %cond3A_56 = arith.cmpi ne, %convert_element_type3A, %cond3A : i32
    scf.if %cond3A_56 {
      %swap3A = arith.constant 0 : index
      %swap3A_63 = arith.constant 0 : index
      %swap3A_64 = vector.load %arg12[%swap3A, %swap3A_63] : memref<512x1xf32, #tpu.memory_space<vmem>>, vector<512x1xf32>
      tpu.vector_store %arg12[%swap3A, %swap3A_63], %select_n3A {strides = array<i32>} : memref<512x1xf32, #tpu.memory_space<vmem>>, vector<512x1xf32>,
    } else {
    }
    %get3A_57 = arith.index_cast %arg0 : i32 to index
    %get3A_58 = memref.load %arg5[%get3A_57] : memref<32xi32, #tpu.memory_space<smem>>
    %eq3A = arith.constant 0 : i32
    %eq3A_59 = arith.cmpi eq, %get3A_58, %eq3A : i32
    %convert_element_type3A_60 = arith.extui %eq3A_59 : i1 to i32
    %cond3A_61 = arith.constant 0 : i32
    %cond3A_62 = arith.cmpi ne, %convert_element_type3A_60, %cond3A_61 : i32
    scf.if %cond3A_62 {
      %get3A_63 = arith.constant 0 : index
      %get3A_64 = arith.constant 0 : index
      %get3A_65 = vector.load %arg12[%get3A_63, %get3A_64] : memref<512x1xf32, #tpu.memory_space<vmem>>, vector<512x1xf32>
      %add3A_66 = arith.addf %get3A_65, %select_n3A : vector<512x1xf32>
      %swap3A = arith.constant 0 : index
      %swap3A_67 = arith.constant 0 : index
      %swap3A_68 = vector.load %arg12[%swap3A, %swap3A_67] : memref<512x1xf32, #tpu.memory_space<vmem>>, vector<512x1xf32>
      tpu.vector_store %arg12[%swap3A, %swap3A_67], %add3A_66 {strides = array<i32>} : memref<512x1xf32, #tpu.memory_space<vmem>>, vector<512x1xf32>,
    } else {
    }
    return
  }
  func.func @transform_0(%arg0: i32, %arg1: memref<32xi32, #tpu.memory_space<smem>>, %arg2: memref<32xi32, #tpu.memory_space<smem>>, %arg3: memref<32xi32, #tpu.memory_space<smem>>, %arg4: memref<32xi32, #tpu.memory_space<smem>>, %arg5: memref<32xi32, #tpu.memory_space<smem>>) -> (i32, i32) {
    %get3A = arith.index_cast %arg0 : i32 to index
    %get3A_0 = memref.load %arg1[%get3A] : memref<32xi32, #tpu.memory_space<smem>>
    %c0_i32 = arith.constant 0 : i32
    %c0_i32_1 = arith.constant 0 : i32
    return %get3A_0, %c0_i32 : i32, i32
  }
  func.func @transform_1(%arg0: i32, %arg1: memref<32xi32, #tpu.memory_space<smem>>, %arg2: memref<32xi32, #tpu.memory_space<smem>>, %arg3: memref<32xi32, #tpu.memory_space<smem>>, %arg4: memref<32xi32, #tpu.memory_space<smem>>, %arg5: memref<32xi32, #tpu.memory_space<smem>>) -> (i32, i32, i32) {
    %get3A = arith.index_cast %arg0 : i32 to index
    %get3A_0 = memref.load %arg2[%get3A] : memref<32xi32, #tpu.memory_space<smem>>
    %c0_i32 = arith.constant 0 : i32
    %c0_i32_1 = arith.constant 0 : i32
    %c0_i32_2 = arith.constant 0 : i32
    return %get3A_0, %c0_i32, %c0_i32_1 : i32, i32, i32
  }
  func.func @transform_2(%arg0: i32, %arg1: memref<32xi32, #tpu.memory_space<smem>>, %arg2: memref<32xi32, #tpu.memory_space<smem>>, %arg3: memref<32xi32, #tpu.memory_space<smem>>, %arg4: memref<32xi32, #tpu.memory_space<smem>>, %arg5: memref<32xi32, #tpu.memory_space<smem>>) -> (i32, i32, i32) {
    %get3A = arith.index_cast %arg0 : i32 to index
    %get3A_0 = memref.load %arg2[%get3A] : memref<32xi32, #tpu.memory_space<smem>>
    %c0_i32 = arith.constant 0 : i32
    %c0_i32_1 = arith.constant 0 : i32
    %c0_i32_2 = arith.constant 0 : i32
    return %get3A_0, %c0_i32, %c0_i32_1 : i32, i32, i32
  }
  func.func @transform_3(%arg0: i32, %arg1: memref<32xi32, #tpu.memory_space<smem>>, %arg2: memref<32xi32, #tpu.memory_space<smem>>, %arg3: memref<32xi32, #tpu.memory_space<smem>>, %arg4: memref<32xi32, #tpu.memory_space<smem>>, %arg5: memref<32xi32, #tpu.memory_space<smem>>) -> (i32, i32, i32) {
    %get3A = arith.index_cast %arg0 : i32 to index
    %get3A_0 = memref.load %arg2[%get3A] : memref<32xi32, #tpu.memory_space<smem>>
    %c0_i32 = arith.constant 0 : i32
    %c0_i32_1 = arith.constant 0 : i32
    %c0_i32_2 = arith.constant 0 : i32
    return %get3A_0, %c0_i32, %c0_i32_1 : i32, i32, i32
  }
  func.func @transform_4(%arg0: i32, %arg1: memref<32xi32, #tpu.memory_space<smem>>, %arg2: memref<32xi32, #tpu.memory_space<smem>>, %arg3: memref<32xi32, #tpu.memory_space<smem>>, %arg4: memref<32xi32, #tpu.memory_space<smem>>, %arg5: memref<32xi32, #tpu.memory_space<smem>>) -> (i32, i32, i32) {
    %get3A = arith.index_cast %arg0 : i32 to index
    %get3A_0 = memref.load %arg2[%get3A] : memref<32xi32, #tpu.memory_space<smem>>
    %c0_i32 = arith.constant 0 : i32
    %c0_i32_1 = arith.constant 0 : i32
    %c0_i32_2 = arith.constant 0 : i32
    return %get3A_0, %c0_i32, %c0_i32_1 : i32, i32, i32
  }
  func.func @transform_5(%arg0: i32, %arg1: memref<32xi32, #tpu.memory_space<smem>>, %arg2: memref<32xi32, #tpu.memory_space<smem>>, %arg3: memref<32xi32, #tpu.memory_space<smem>>, %arg4: memref<32xi32, #tpu.memory_space<smem>>, %arg5: memref<32xi32, #tpu.memory_space<smem>>) -> (i32, i32, i32) {
    %get3A = arith.index_cast %arg0 : i32 to index
    %get3A_0 = memref.load %arg2[%get3A] : memref<32xi32, #tpu.memory_space<smem>>
    %c0_i32 = arith.constant 0 : i32
    %c0_i32_1 = arith.constant 0 : i32
    %c0_i32_2 = arith.constant 0 : i32
    return %get3A_0, %c0_i32, %c0_i32_1 : i32, i32, i32
  }
  func.func @transform_6(%arg0: i32, %arg1: memref<32xi32, #tpu.memory_space<smem>>, %arg2: memref<32xi32, #tpu.memory_space<smem>>, %arg3: memref<32xi32, #tpu.memory_space<smem>>, %arg4: memref<32xi32, #tpu.memory_space<smem>>, %arg5: memref<32xi32, #tpu.memory_space<smem>>) -> (i32, i32) {
    %get3A = arith.index_cast %arg0 : i32 to index
    %get3A_0 = memref.load %arg1[%get3A] : memref<32xi32, #tpu.memory_space<smem>>
    %c0_i32 = arith.constant 0 : i32
    %c0_i32_1 = arith.constant 0 : i32
    return %get3A_0, %c0_i32 : i32, i32
  }
}

</mosaic_0001>

<sc_bundles>
// kernel: kernel.6.cloned.1.call-start
scs
__scs_entry_jumppad:
0x0: {  	(pc) =	sbr.rel $0x88, $3  }
0x1: {  	(tag) =	ssettag $0x0;
	lr =	simm.s32 $0x1  }
0x2: {  	[smem:$0x3F98] =	sst lr;
	_ =	strace $0xD0000000  }
0x3: {  	_ = 	snop  }
0x4: {  	_ = 	snop  }
0x5: {  	_ = 	snop  }
0x6: {  	_ = 	snop  }
0x7: {  	_ = 	snop  }
__scs_overlays_trampoline_lowered:
0x8: {  	[smem:$0x3FA7] =	sst s0  }
0x9: {  	[smem:$0x3FA8] =	sst s1  }
0xa: {  	[smem:$0x3FA9] =	sst s2  }
0xb: {  	[smem:$0x3FAA] =	sst s3  }
0xc: {  	[smem:$0x3FAB] =	sst s4  }
0xd: {  	[smem:$0x3FAC] =	sst s5  }
0xe: {  	[smem:$0x3FAD] =	sst s6  }
0xf: {  	[smem:$0x3FAE] =	sst s7  }
0x10: {  	[smem:$0x3FAF] =	sst s8  }
0x11: {  	[smem:$0x3FB0] =	sst s9;
	s0 =	simm.s32 @!p0 $0x0  }
0x12: {  	s1 =	sld [smem:$0x3F96];
	s0 =	simm.s32 @p0 $0x1  }
0x13: {  	[smem:$0x3FB1] =	sst s0;
	s0 =	simm.s32 @!p1 $0x0  }
0x14: {  	s2 =	sld [smem:$0x3F95];
	s0 =	simm.s32 @p1 $0x1  }
0x15: {  	[smem:$0x3FB2] =	sst s0;
	s0 =	simm.s32 @!p2 $0x0  }
0x16: {  	s3 =	sld [smem:$0x3FDB];
	s0 =	simm.s32 @p2 $0x1  }
0x17: {  	s4 =	simm.s32 $0x1BF5;
	[smem:$0x3FB4] =	sst s0  }
0x18: {  	s0 =	sld [smem:$0x3F97];
	_ =	swait.ge [sflag:s4], $0x0  }
0x19: {  	s7 =	sld [smem:$0x3F98]  }
0x1a: {  	s8 =	sadd.s32 $0xFFFFE003, lr  }
0x1b: {  	s9 =	sadd.s32 $0xFFFFFEF7, lr;
	s5 =	simm.s32 $0xFFFFFFFF;
	p2 =	slt.u32 s8, $0xFFFFF086  }
0x1c: {  	p1 =	slt.u32 s9, $0xF7A;
	s5 =	simm.s32 @!p2 $0x0  }
0x1d: {  	s5 =	simm.s32 @p1 $0x1;
	p0 =	seq.s32 s7, s2  }
0x1e: {  	s7 =	smul.u32 @!p0 $0xF7A, s2;
	p2 =	seq.s32 @!p0 s5, $0x0  }
0x1f: {  	s9 =	smul.u32 $0xF7A, s1;
	s8 =	simm.s32 @!p0 $0x1BF5;
	p2 =	por !p2, p0  }
0x20: {  	[sflag:s8] =	ssyncset.s32 @!p0 $0xFFFFF086;
	s6 =	sadd.s32 @!p0 s3, s7;
	s7 =	simm.s32 @!p0 $0x108  }
0x21: {  	s3 =	sadd.s32 s3, s9;
	s6 =	sadd.s32 @!p0 $0x88, s6;
	s7 =	simm.s32 @p2 $0x1082  }
0x22: {  	[simem:s7], [sflag:s8] =	dma.local @!p0 [hbm:s6], $0xF7A  }
0x23: {  	s9 =	sor.u32 $0xD0000000, s2;
	s6 =	simm.s32 $0x108;
	_ =	swait.ge @!p0 [sflag:s8], $0x0  }
0x24: {  	s3 =	sadd.s32 $0x88, s3;
	s6 =	simm.s32 @!p1 $0x1082;
	[sflag:s4] =	ssyncset.s32 $0xFFFFF086  }
0x25: {  	[simem:s6], [sflag:s4] =	dma.local [hbm:s3], $0xF7A  }
0x26: {  	[smem:$0x3F98] =	sst s1;
	(tag) =	ssettag s2;
	_ =	strace s9  }
0x27: {  	s1 =	sld [smem:$0x3FA8]  }
0x28: {  	s2 =	sld [smem:$0x3FA9]  }
0x29: {  	s4 =	sld [smem:$0x3FAB]  }
0x2a: {  	p0 =	seq.s32 s5, $0x0;
	s5 =	sld [smem:$0x3FAC]  }
0x2b: {  	s6 =	sld [smem:$0x3FAD]  }
0x2c: {  	s7 =	sld [smem:$0x3FAE]  }
0x2d: {  	s3 =	simm.s32 $0x108;
	s8 =	sld [smem:$0x3FAF]  }
0x2e: {  	s3 =	simm.s32 @!p0 $0x1082;
	s9 =	sld [smem:$0x3FB0]  }
0x2f: {  	lr =	sadd.s32 s0, s3;
	s0 =	sld [smem:$0x3FA7]  }
0x30: {  	s3 =	sld [smem:$0x3FAA]  }
0x31: {  	[smem:$0x3FB3] =	sst s10  }
0x32: {  	s10 =	sld [smem:$0x3FB1];
	_ =	sdelay $0x3  }
0x33: {  	p0 =	seq.s32 s10, $0x1;
	s10 =	sld [smem:$0x3FB3];
	_ =	sdelay $0x3  }
0x34: {  	[smem:$0x3FB3] =	sst s10  }
0x35: {  	s10 =	sld [smem:$0x3FB2];
	_ =	sdelay $0x3  }
0x36: {  	p1 =	seq.s32 s10, $0x1;
	s10 =	sld [smem:$0x3FB3];
	_ =	sdelay $0x3  }
0x37: {  	[smem:$0x3FB3] =	sst s10  }
0x38: {  	s10 =	sld [smem:$0x3FB4]  }
0x39: {  	_ = 	snop;
	(pc) =	sbr.ind lr, $3  }
0x3a: {  	_ = 	snop  }
0x3b: {  	_ = 	snop  }
0x3c: {  	p2 =	seq.s32 s10, $0x1;
	s10 =	sld [smem:$0x3FB3]  }
0x3d: {  	_ =	shalt  }
0x3e: {  	_ =	shalt  }
0x3f: {  	_ =	shalt  }
0x40: {  	_ =	shalt  }
0x41: {  	_ =	shalt  }
0x42: {  	_ =	shalt  }
0x43: {  	_ =	shalt  }
0x44: {  	_ =	shalt  }
0x45: {  	_ =	shalt  }
0x46: {  	_ =	shalt  }
0x47: {  	_ =	shalt  }
0x48: {  	_ =	shalt  }
0x49: {  	_ =	shalt  }
0x4a: {  	_ =	shalt  }
0x4b: {  	_ =	shalt  }
0x4c: {  	_ =	shalt  }
0x4d: {  	_ =	shalt  }
0x4e: {  	_ =	shalt  }
0x4f: {  	_ =	shalt  }
0x50: {  	_ =	shalt  }
0x51: {  	_ =	shalt  }
0x52: {  	_ =	shalt  }
0x53: {  	_ =	shalt  }
0x54: {  	_ =	shalt  }
0x55: {  	_ =	shalt  }
0x56: {  	_ =	shalt  }
0x57: {  	_ =	shalt  }
0x58: {  	_ =	shalt  }
0x59: {  	_ =	shalt  }
0x5a: {  	_ =	shalt  }
0x5b: {  	_ =	shalt  }
0x5c: {  	_ =	shalt  }
0x5d: {  	_ =	shalt  }
0x5e: {  	_ =	shalt  }
0x5f: {  	_ =	shalt  }
0x60: {  	_ =	shalt  }
0x61: {  	_ =	shalt  }
0x62: {  	_ =	shalt  }
0x63: {  	_ =	shalt  }
0x64: {  	_ =	shalt  }
0x65: {  	_ =	shalt  }
0x66: {  	_ =	shalt  }
0x67: {  	_ =	shalt  }
0x68: {  	_ =	shalt  }
0x69: {  	_ =	shalt  }
0x6a: {  	_ =	shalt  }
0x6b: {  	_ =	shalt  }
0x6c: {  	_ =	shalt  }
0x6d: {  	_ =	shalt  }
0x6e: {  	_ =	shalt  }
0x6f: {  	_ =	shalt  }
0x70: {  	_ =	shalt  }
0x71: {  	_ =	shalt  }
0x72: {  	_ =	shalt  }
0x73: {  	_ =	shalt  }
0x74: {  	_ =	shalt  }
0x75: {  	_ =	shalt  }
0x76: {  	_ =	shalt  }
0x77: {  	_ =	shalt  }
0x78: {  	_ =	shalt  }
0x79: {  	_ =	shalt  }
0x7a: {  	_ =	shalt  }
0x7b: {  	_ =	shalt  }
0x7c: {  	_ =	shalt  }
0x7d: {  	_ =	shalt  }
0x7e: {  	_ =	shalt  }
0x7f: {  	_ =	shalt  }
0x80: {  	_ =	shalt  }
0x81: {  	_ =	shalt  }
0x82: {  	_ =	shalt  }
0x83: {  	_ =	shalt  }
0x84: {  	_ =	shalt  }
0x85: {  	_ =	shalt  }
0x86: {  	_ =	shalt  }
0x87: {  	_ =	shalt  }
.Lfunc_end0:
.L_simem_size_0:
called_computation_lowered:
.L_overlay_start_0:
0x88: {  	s2 =	sld [smem:$0x3FD9]  }
0x89: {  	s3 =	sld [smem:$0x3FFE];
	_ =	sdelay $0x1  }
0x8a: {  	s1 =	srdreg.scid  }
0x8b: {  	s0 =	sand.u32 $0x1, s1  }
0x8c: {  	s17 =	sshll.u32 s0, $0xA;
	s2 =	sadd.s32 s3, s2  }
0x8d: {  	s2 =	sadd.s32 s2, s17  }
0x8e: {  	[smem:$0x3FBF] =	sst s2  }
0x8f: {  	_ = 	snop  }
0x90: {  	s2 =	sld [smem:$0x3FC9]  }
0x91: {  	s18 =	sld [smem:$0x3FD0];
	(tm) =	ssettm $0x1  }
0x92: {  	s4 =	sld [smem:$0x3FFB];
	_ =	sdelay $0x3  }
0x93: {  	_ =	strace s4  }
0x94: {  	s4 =	sld [smem:$0x3FFC];
	_ =	sdelay $0x3  }
0x95: {  	_ =	strace s4  }
0x96: {  	s4 =	sld [smem:$0x3FFD];
	_ =	sdelay $0x3  }
0x97: {  	_ =	strace s4  }
0x98: {  	_ =	strace $0x8FFFFFFF  }
0x99: {  	s19 =	sld [smem:$0x3FDB];
	_ =	sdelay $0x1  }
0x9a: {  	s5 =	simm.s32 $_scs_section_size  }
0x9b: {  	s6 =	simm.s32 $_size__tile_overlayer_lowered;
	s7 =	simm.s32 $_tile_overlayer_lowered  }
0x9c: {  	s22 =	simm.s32 $0x1BFF;
	s21 =	sshll.u32 s7, $0x1;
	s4 =	sadd.s32 s5, s19  }
0x9d: {  	s8 =	simm.s32 $0x0;
	s20 =	sshll.u32 s6, $0x1;
	s6 =	sadd.s32 s21, s4  }
0x9e: {  	[timem:s8], [sflag:s22] =	dma.local [hbm:s6], s20  }
0x9f: {  	_ =	swait.ge [sflag:s22], s20  }
0xa0: {  	s5 =	ssub.s32 $0x0, s20;
	[sflag:s22] =	ssyncset.done $0x0  }
0xa1: {  	[sflag:s22] =	ssyncadd.s32 s5;
	_ =	sdelay $0x1  }
0xa2: {  	s23 =	simm.s32 $0x1B8B  }
0xa3: {  	_ =	swait.ge [sflag:s23], $0x1  }
0xa4: {  	[sflag:s23] =	ssyncset.done $0x0  }
0xa5: {  	s25 =	simm.s32 $0x1B8E;
	s24 =	sld [smem:$0x3FFE];
	[sflag:s23] =	ssyncadd.s32 $0xFFFFFFFF  }
0xa6: {  	s26 =	simm.s32 $execute0_lowered;
	[smem:$0x3FD2] =	sst s25  }
0xa7: {  	s6 =	sshll.u32 s26, $0x1;
	_ =	strace $0x80000046;
	[dreg:$0x1] =	wrdreg $0xFFFFFFFF  }
0xa8: {  	s28 =	simm.s32 $_size_execute0_lowered;
	s4 =	sadd.s32 s4, s6;
	[dreg:$0x0] =	wrdreg $0x0  }
0xa9: {  	s6 =	sshll.u32 s28, $0x1;
	[dreg:$0x2] =	wrdreg s4  }
0xaa: {  	[dreg:$0x3] =	wrdreg s6  }
0xab: {  	[dreg:$0x4] =	wrdreg $0xC0  }
0xac: {  	_ =	task [dreg:s8], $0x5FFFF  }
0xad: {  	[dreg:$0x1] =	wrdreg $0xFFFFFFFF  }
0xae: {  	[dreg:$0x0] =	wrdreg $0x60  }
0xaf: {  	[dreg:$0x2] =	wrdreg s2  }
0xb0: {  	[dreg:$0x3] =	wrdreg s24  }
0xb1: {  	[dreg:$0x4] =	wrdreg s18  }
0xb2: {  	[dreg:$0x5] =	wrdreg $0x9  }
0xb3: {  	_ =	task.clear_ibuf [dreg:s8], $0x6FFFF;
	_ =	strace $0x90000046  }
0xb4: {  	s29 =	simm.s32 $0x9;
	_ =	strace $0x80000048  }
0xb5: {  	_ =	swait.ge [sflag:s29], $0x1  }
0xb6: {  	[sflag:s29] =	ssyncadd.s32 $0xFFFFFFFF  }
0xb7: {  	_ =	strace $0x90000048  }
0xb8: {  	_ =	sfence  }
0xb9: {  	s30 =	sld [smem:$0x0];
	_ =	sdelay $0x2  }
0xba: {  	s31 =	sshll.u32 s1, $0xD;
	s1 =	sshrl.u32 s1, $0x2  }
0xbb: {  	s3 =	sand.u32 $0x4000, s31;
	s1 =	sadd.s32 s1, s30  }
0xbc: {  	s0 =	sor.u32 s3, s0;
	s1 =	sshll.u32 s1, $0x11  }
0xbd: {  	s0 =	sor.u32 s1, s0  }
0xbe: {  	s0 =	sadd.s32 $0x8F2B, s0  }
0xbf: {  	[sflag:s0] =	ssyncadd.remote.s32 $0x1  }
0xc0: {  	_ =	sfence.sel $0xFFFF  }
0xc1: {  	[dreg:$0x0] =	wrdreg $0xFFFFFFFF;
	(pc) =	sbr.abs _section_cstart, $3  }
0xc2: {  	[dreg:$0x1] =	wrdreg $0xFFFFFFFF  }
0xc3: {  	_ =	task.clear_ibuf [dreg:s8], $0x2FFFF;
	_ =	strace $0x9FFFFFFF  }
0xc4: {  	(tm) =	ssettm $0x7FFFFFFF  }
0xc5: {  	_ =	shalt  }
tec
execute0_lowered:
.L_overlay_start_1:
0x0: {  	(tag) =	ssettag $0x1  }
0x1: {  	s0 =	rddreg [dreg:$0x0]  }
0x2: {  	s11 =	rddreg [dreg:$0x1]  }
0x3: {  	s1 =	rddreg [dreg:$0x2];
	s3 =	simm.s32 $0x0  }
0x4: {  	s2 =	srdreg.scid;
	s4 =	stileid.u32;
	s16 =	simm.s32 $0x980  }
0x5: {  	s17 =	simm.s32 $0x1180;
	s18 =	simm.s32 $0x1980;
	s19 =	simm.s32 $0x2180  }
0x6: {  	s20 =	simm.s32 $0x2980;
	s28 =	simm.s32 $0x6180;
	s29 =	simm.s32 $0x6980  }
0x7: {  	s30 =	simm.s32 $0x7180;
	s31 =	simm.s32 $0x7980;
	s12 =	simm.s32 $0xA180  }
0x8: {  	[smem:$0x7FF] =	sst s3;
	s2 =	sand.u32 $0x1, s2;
	s5 =	sshll.u32 s4, $0x6  }
0x9: {  	s7 =	sadd.s32 $0x200, s11;
	s4 =	sadd.s32 $0x600, s11;
	s6 =	sshll.u32 s2, $0x5  }
0xa: {  	s8 =	sadd.s32 $0xC0600, s11;
	s2 =	ssub.s32 $0x2, s2;
	s5 =	sor.u32 s6, s5  }
0xb: {  	_ =	strace $0x80000047;
	s10 =	sshrl.u32 s2, $0x1;
	s6 =	sadd.s32 s7, s5  }
0xc: {  	s9 =	smul.u32 $0x300, s5;
	s21 =	sadd.s32 s1, s5;
	[dreg:$0x4] =	wrdreg s6  }
0xd: {  	s23 =	sadd.s32 s8, s5;
	s24 =	sor.u32 $0x10, s5;
	[dreg:$0x5] =	wrdreg s21  }
0xe: {  	s2 =	ssub.s32 s2, s10;
	s10 =	simm.s32 $0xA980;
	[dreg:$0x7] =	wrdreg s23  }
0xf: {  	s5 =	sadd.s32 s7, s24;
	s25 =	smul.u32 $0x300, s24;
	s1 =	sadd.s32 s1, s24  }
0x10: {  	s6 =	sadd.s32 $0x800, s11;
	s26 =	sadd.s32 s8, s24;
	s7 =	smax.u32 s2, $0x1  }
0x11: {  	s8 =	simm.s32 $0x2;
	s21 =	simm.s32 $0x3180;
	s23 =	simm.s32 $0x4180  }
0x12: {  	s24 =	simm.s32 $0x4980;
	s2 =	simm.s32 $0x8980;
	[dreg:$0x8] =	wrdreg s5  }
0x13: {  	s22 =	sadd.s32 s0, s9;
	s5 =	sadd.s32 $0x700, s11;
	[dreg:$0x9] =	wrdreg s1  }
0x14: {  	v2 =	vlaneseq.u32;
	[dreg:$0xb] =	wrdreg s26;
	s1 =	simm.s32 $0x1;
	s26 =	simm.s32 $0x5980  }
0x15: {  	vm0 =	vmmov $0xffff;
	v1 =	vshrl.u32 v2, $0x3;
	s11 =	simm.s32 $0x8180;
	[dreg:$0x6] =	wrdreg s22;
	s0 =	sadd.s32 s0, s25  }
0x16: {  	v0 =	vand.u32 $0x7, v2;
	v2 =	vor.u32 $0x8, v2;
	v1 =	vmul.u32 $0x8, v1;
	s22 =	simm.s32 $0x3980;
	s25 =	simm.s32 $0x5180;
	[dreg:$0xa] =	wrdreg s0  }
.LBB2_1:
0x17: {  	s14 =	rddreg [dreg:$0x1]  }
0x18: {  	[tilespmem:s3], [sflag:$0x2] =	stream.linear.gather [hbm4b:s14+s3], $0x80, $0x38;
	[tilespmem:$0x18180] =	vst v63  }
0x19: {  	_ =	swait.ge [sflag:s8], $0x80  }
0x1a: {  	[sflag:s8] =	ssyncset.done $0x0  }
0x1b: {  	s15 =	simm.s32 $0x80;
	s0 =	rddreg [dreg:$0x4];
	[sflag:s8] =	ssyncadd.s32 $0xFFFFFF80  }
0x1c: {  	[tilespmem:s15], [sflag:$0x2] =	stream.linear.gather [hbm4b:s0+s3], $0x80, $0x38;
	[tilespmem:$0x18180] =	vst v63  }
0x1d: {  	_ =	swait.ge [sflag:s8], $0x80  }
0x1e: {  	[sflag:s8] =	ssyncset.done $0x0  }
0x1f: {  	s0 =	simm.s32 $0x100;
	s9 =	rddreg [dreg:$0x5];
	[sflag:s8] =	ssyncadd.s32 $0xFFFFFF80  }
0x20: {  	[tilespmem:s0], [sflag:$0x2] =	stream.linear.gather [hbm4b:s9+s3], $0x80, $0x38;
	[tilespmem:$0x18180] =	vst v63  }
0x21: {  	_ =	swait.ge [sflag:s8], $0x80  }
0x22: {  	[sflag:s8] =	ssyncset.done $0x0  }
0x23: {  	[sflag:s8] =	ssyncadd.s32 $0xFFFFFF80  }
0x24: {  	v3 =	vld [tilespmem:$0x80];
	_ =	sdelay $0x5  }
0x25: {  	v4 =	vld [tilespmem:$0x100]  }
0x26: {  	v5 =	vld [tilespmem:$0x90]  }
0x27: {  	v3 =	vld.idx.msk [tilespmem:v3+s3+$0x0], $0xffff;
	_ =	sdelay $0x4  }
0x28: {  	v28 =	vld [tilespmem:$0x110];
	v3 =	vadd.s32 v4, v3  }
0x29: {  	[tilespmem:$0x100] =	vst v3;
	v3 =	vld [tilespmem:$0xA0]  }
0x2a: {  	v5 =	vld.idx.msk [tilespmem:v5+s3+$0x0], $0xffff;
	_ =	sdelay $0x4  }
0x2b: {  	v29 =	vld [tilespmem:$0x120];
	v4 =	vadd.s32 v28, v5  }
0x2c: {  	v30 =	vld [tilespmem:$0xB0];
	[tilespmem:$0x110] =	vst v4  }
0x2d: {  	v3 =	vld.idx.msk [tilespmem:v3+s3+$0x0], $0xffff;
	_ =	sdelay $0x4  }
0x2e: {  	v31 =	vld [tilespmem:$0x130];
	v3 =	vadd.s32 v29, v3  }
0x2f: {  	[tilespmem:$0x120] =	vst v3;
	v3 =	vld [tilespmem:$0xC0]  }
0x30: {  	v4 =	vld.idx.msk [tilespmem:v30+s3+$0x0], $0xffff;
	_ =	sdelay $0x4  }
0x31: {  	v32 =	vld [tilespmem:$0x140];
	v4 =	vadd.s32 v31, v4  }
0x32: {  	v33 =	vld [tilespmem:$0xD0];
	[tilespmem:$0x130] =	vst v4  }
0x33: {  	v3 =	vld.idx.msk [tilespmem:v3+s3+$0x0], $0xffff;
	_ =	sdelay $0x4  }
0x34: {  	v34 =	vld [tilespmem:$0x150];
	v3 =	vadd.s32 v32, v3  }
0x35: {  	[tilespmem:$0x140] =	vst v3;
	v3 =	vld [tilespmem:$0xE0]  }
0x36: {  	v4 =	vld.idx.msk [tilespmem:v33+s3+$0x0], $0xffff;
	_ =	sdelay $0x4  }
0x37: {  	v35 =	vld [tilespmem:$0x160];
	v4 =	vadd.s32 v34, v4  }
0x38: {  	v36 =	vld [tilespmem:$0xF0];
	[tilespmem:$0x150] =	vst v4  }
0x39: {  	v3 =	vld.idx.msk [tilespmem:v3+s3+$0x0], $0xffff;
	_ =	sdelay $0x4  }
0x3a: {  	v3 =	vadd.s32 v35, v3  }
0x3b: {  	[tilespmem:$0x160] =	vst v3;
	v3 =	vld [tilespmem:$0x170]  }
0x3c: {  	v4 =	vld.idx.msk [tilespmem:v36+s3+$0x0], $0xffff;
	_ =	sdelay $0x4  }
0x3d: {  	v3 =	vadd.s32 v3, v4  }
0x3e: {  	s0 =	simm.s32 $0x180;
	s13 =	rddreg [dreg:$0x6];
	[tilespmem:$0x170] =	vst v3  }
0x3f: {  	[tilespmem:s0], [sflag:$0x2] =	stream.linear.gather [hbm4b:s13+s3], $0x18000, $0x38;
	[tilespmem:$0x18180] =	vst v63  }
0x40: {  	_ =	swait.ge [sflag:s8], $0x18000  }
0x41: {  	[sflag:s8] =	ssyncset.done $0x0  }
0x42: {  	[sflag:s8] =	ssyncadd.s32 $0xFFFE8000  }
0x43: {  	v3 =	vld [tilespmem:$0x100];
	_ =	sdelay $0x4  }
0x44: {  	v37 =	vshrl.u32 v3, $0x3  }
0x45: {  	v4 =	vmul.u32 $0x30, v37  }
0x46: {  	v3 =	vand.u32 $0x7, v3  }
0x47: {  	v3 =	vor.u32 v3, v4  }
0x48: {  	v4 =	vperm.xlane v3, v0;
	_ =	sdelay $0x1  }
0x49: {  	v4 =	vadd.s32 v1, v4;
	_ =	sdelay $0x3  }
0x4a: {  	v3 =	vperm.xlane v3, v2  }
0x4b: {  	[hbm4b:s4+s3] =	stream.indirect_vreg.scatter [tilespmem:s0], [sflag:$0x1], $0x80, v4, vm0, $0xb8;
	[tilespmem:$0x18180] =	vst v63  }
0x4c: {  	v3 =	vadd.s32 v1, v3  }
0x4d: {  	[hbm4b:s5+s3] =	stream.indirect_vreg.scatter [tilespmem:s16], [sflag:$0x1], $0x80, v4, vm0, $0xb8;
	[tilespmem:$0x18180] =	vst v63  }
0x4e: {  	_ = 	snop  }
0x4f: {  	[hbm4b:s6+s3] =	stream.indirect_vreg.scatter [tilespmem:s17], [sflag:$0x1], $0x80, v4, vm0, $0xb8;
	[tilespmem:$0x18180] =	vst v63  }
0x50: {  	_ = 	snop  }
0x51: {  	[hbm4b:s4+s3] =	stream.indirect_vreg.scatter [tilespmem:s18], [sflag:$0x1], $0x80, v3, vm0, $0xb8;
	[tilespmem:$0x18180] =	vst v63  }
0x52: {  	_ = 	snop  }
0x53: {  	[hbm4b:s5+s3] =	stream.indirect_vreg.scatter [tilespmem:s19], [sflag:$0x1], $0x80, v3, vm0, $0xb8;
	[tilespmem:$0x18180] =	vst v63  }
0x54: {  	_ = 	snop  }
0x55: {  	[hbm4b:s6+s3] =	stream.indirect_vreg.scatter [tilespmem:s20], [sflag:$0x1], $0x80, v3, vm0, $0xb8;
	[tilespmem:$0x18180] =	vst v63  }
0x56: {  	v3 =	vld [tilespmem:$0x110];
	_ =	sdelay $0x4  }
0x57: {  	v38 =	vshrl.u32 v3, $0x3  }
0x58: {  	v4 =	vmul.u32 $0x30, v38  }
0x59: {  	v3 =	vand.u32 $0x7, v3  }
0x5a: {  	v3 =	vor.u32 v3, v4  }
0x5b: {  	v4 =	vperm.xlane v3, v0;
	_ =	sdelay $0x1  }
0x5c: {  	v4 =	vadd.s32 v1, v4;
	_ =	sdelay $0x3  }
0x5d: {  	v3 =	vperm.xlane v3, v2  }
0x5e: {  	[hbm4b:s4+s3] =	stream.indirect_vreg.scatter [tilespmem:s21], [sflag:$0x1], $0x80, v4, vm0, $0xb8;
	[tilespmem:$0x18180] =	vst v63  }
0x5f: {  	v3 =	vadd.s32 v1, v3  }
0x60: {  	[hbm4b:s5+s3] =	stream.indirect_vreg.scatter [tilespmem:s22], [sflag:$0x1], $0x80, v4, vm0, $0xb8;
	[tilespmem:$0x18180] =	vst v63  }
0x61: {  	_ = 	snop  }
0x62: {  	[hbm4b:s6+s3] =	stream.indirect_vreg.scatter [tilespmem:s23], [sflag:$0x1], $0x80, v4, vm0, $0xb8;
	[tilespmem:$0x18180] =	vst v63  }
0x63: {  	_ = 	snop  }
0x64: {  	[hbm4b:s4+s3] =	stream.indirect_vreg.scatter [tilespmem:s24], [sflag:$0x1], $0x80, v3, vm0, $0xb8;
	[tilespmem:$0x18180] =	vst v63  }
0x65: {  	_ = 	snop  }
0x66: {  	[hbm4b:s5+s3] =	stream.indirect_vreg.scatter [tilespmem:s25], [sflag:$0x1], $0x80, v3, vm0, $0xb8;
	[tilespmem:$0x18180] =	vst v63  }
0x67: {  	_ = 	snop  }
0x68: {  	[hbm4b:s6+s3] =	stream.indirect_vreg.scatter [tilespmem:s26], [sflag:$0x1], $0x80, v3, vm0, $0xb8;
	[tilespmem:$0x18180] =	vst v63  }
0x69: {  	v3 =	vld [tilespmem:$0x120];
	_ =	sdelay $0x4  }
0x6a: {  	v39 =	vshrl.u32 v3, $0x3  }
0x6b: {  	v4 =	vmul.u32 $0x30, v39  }
0x6c: {  	v3 =	vand.u32 $0x7, v3  }
0x6d: {  	v3 =	vor.u32 v3, v4  }
0x6e: {  	v4 =	vperm.xlane v3, v0;
	_ =	sdelay $0x1  }
0x6f: {  	v4 =	vadd.s32 v1, v4;
	_ =	sdelay $0x3  }
0x70: {  	v3 =	vperm.xlane v3, v2  }
0x71: {  	[hbm4b:s4+s3] =	stream.indirect_vreg.scatter [tilespmem:s28], [sflag:$0x1], $0x80, v4, vm0, $0xb8;
	[tilespmem:$0x18180] =	vst v63  }
0x72: {  	v3 =	vadd.s32 v1, v3  }
0x73: {  	[hbm4b:s5+s3] =	stream.indirect_vreg.scatter [tilespmem:s29], [sflag:$0x1], $0x80, v4, vm0, $0xb8;
	[tilespmem:$0x18180] =	vst v63  }
0x74: {  	_ = 	snop  }
0x75: {  	[hbm4b:s6+s3] =	stream.indirect_vreg.scatter [tilespmem:s30], [sflag:$0x1], $0x80, v4, vm0, $0xb8;
	[tilespmem:$0x18180] =	vst v63  }
0x76: {  	_ = 	snop  }
0x77: {  	[hbm4b:s4+s3] =	stream.indirect_vreg.scatter [tilespmem:s31], [sflag:$0x1], $0x80, v3, vm0, $0xb8;
	[tilespmem:$0x18180] =	vst v63  }
0x78: {  	_ = 	snop  }
0x79: {  	[hbm4b:s5+s3] =	stream.indirect_vreg.scatter [tilespmem:s11], [sflag:$0x1], $0x80, v3, vm0, $0xb8;
	[tilespmem:$0x18180] =	vst v63  }
0x7a: {  	_ = 	snop  }
0x7b: {  	[hbm4b:s6+s3] =	stream.indirect_vreg.scatter [tilespmem:s2], [sflag:$0x1], $0x80, v3, vm0, $0xb8;
	[tilespmem:$0x18180] =	vst v63  }
0x7c: {  	v3 =	vld [tilespmem:$0x130];
	_ =	sdelay $0x4  }
0x7d: {  	v40 =	vshrl.u32 v3, $0x3  }
0x7e: {  	v4 =	vmul.u32 $0x30, v40  }
0x7f: {  	v3 =	vand.u32 $0x7, v3  }
0x80: {  	v3 =	vor.u32 v3, v4  }
0x81: {  	v4 =	vperm.xlane v3, v0;
	_ =	sdelay $0x1  }
0x82: {  	v4 =	vadd.s32 v1, v4;
	_ =	sdelay $0x3  }
0x83: {  	s9 =	simm.s32 $0x9180;
	v3 =	vperm.xlane v3, v2  }
0x84: {  	[hbm4b:s4+s3] =	stream.indirect_vreg.scatter [tilespmem:s9], [sflag:$0x1], $0x80, v4, vm0, $0xb8;
	[tilespmem:$0x18180] =	vst v63  }
0x85: {  	v3 =	vadd.s32 v1, v3;
	s9 =	simm.s32 $0x9980  }
0x86: {  	[hbm4b:s5+s3] =	stream.indirect_vreg.scatter [tilespmem:s9], [sflag:$0x1], $0x80, v4, vm0, $0xb8;
	[tilespmem:$0x18180] =	vst v63  }
0x87: {  	_ = 	snop  }
0x88: {  	[hbm4b:s6+s3] =	stream.indirect_vreg.scatter [tilespmem:s12], [sflag:$0x1], $0x80, v4, vm0, $0xb8;
	[tilespmem:$0x18180] =	vst v63  }
0x89: {  	_ = 	snop  }
0x8a: {  	[hbm4b:s4+s3] =	stream.indirect_vreg.scatter [tilespmem:s10], [sflag:$0x1], $0x80, v3, vm0, $0xb8;
	[tilespmem:$0x18180] =	vst v63  }
0x8b: {  	s13 =	simm.s32 $0xB180  }
0x8c: {  	[hbm4b:s5+s3] =	stream.indirect_vreg.scatter [tilespmem:s13], [sflag:$0x1], $0x80, v3, vm0, $0xb8;
	[tilespmem:$0x18180] =	vst v63  }
0x8d: {  	s14 =	simm.s32 $0xB980  }
0x8e: {  	[hbm4b:s6+s3] =	stream.indirect_vreg.scatter [tilespmem:s14], [sflag:$0x1], $0x80, v3, vm0, $0xb8;
	[tilespmem:$0x18180] =	vst v63  }
0x8f: {  	v3 =	vld [tilespmem:$0x140];
	_ =	sdelay $0x4  }
0x90: {  	v41 =	vshrl.u32 v3, $0x3  }
0x91: {  	v4 =	vmul.u32 $0x30, v41  }
0x92: {  	v3 =	vand.u32 $0x7, v3  }
0x93: {  	v3 =	vor.u32 v3, v4  }
0x94: {  	v4 =	vperm.xlane v3, v0;
	_ =	sdelay $0x1  }
0x95: {  	v4 =	vadd.s32 v1, v4;
	_ =	sdelay $0x3  }
0x96: {  	s14 =	simm.s32 $0xC180;
	v3 =	vperm.xlane v3, v2  }
0x97: {  	[hbm4b:s4+s3] =	stream.indirect_vreg.scatter [tilespmem:s14], [sflag:$0x1], $0x80, v4, vm0, $0xb8;
	[tilespmem:$0x18180] =	vst v63  }
0x98: {  	v3 =	vadd.s32 v1, v3;
	s14 =	simm.s32 $0xC980  }
0x99: {  	[hbm4b:s5+s3] =	stream.indirect_vreg.scatter [tilespmem:s14], [sflag:$0x1], $0x80, v4, vm0, $0xb8;
	[tilespmem:$0x18180] =	vst v63  }
0x9a: {  	s14 =	simm.s32 $0xD180  }
0x9b: {  	[hbm4b:s6+s3] =	stream.indirect_vreg.scatter [tilespmem:s14], [sflag:$0x1], $0x80, v4, vm0, $0xb8;
	[tilespmem:$0x18180] =	vst v63  }
0x9c: {  	s14 =	simm.s32 $0xD980  }
0x9d: {  	[hbm4b:s4+s3] =	stream.indirect_vreg.scatter [tilespmem:s14], [sflag:$0x1], $0x80, v3, vm0, $0xb8;
	[tilespmem:$0x18180] =	vst v63  }
0x9e: {  	s14 =	simm.s32 $0xE180  }
0x9f: {  	[hbm4b:s5+s3] =	stream.indirect_vreg.scatter [tilespmem:s14], [sflag:$0x1], $0x80, v3, vm0, $0xb8;
	[tilespmem:$0x18180] =	vst v63  }
0xa0: {  	s14 =	simm.s32 $0xE980  }
0xa1: {  	[hbm4b:s6+s3] =	stream.indirect_vreg.scatter [tilespmem:s14], [sflag:$0x1], $0x80, v3, vm0, $0xb8;
	[tilespmem:$0x18180] =	vst v63  }
0xa2: {  	v3 =	vld [tilespmem:$0x150];
	_ =	sdelay $0x4  }
0xa3: {  	v42 =	vshrl.u32 v3, $0x3  }
0xa4: {  	v4 =	vmul.u32 $0x30, v42  }
0xa5: {  	v3 =	vand.u32 $0x7, v3  }
0xa6: {  	v3 =	vor.u32 v3, v4  }
0xa7: {  	v4 =	vperm.xlane v3, v0;
	_ =	sdelay $0x1  }
0xa8: {  	v4 =	vadd.s32 v1, v4;
	_ =	sdelay $0x3  }
0xa9: {  	s14 =	simm.s32 $0xF180;
	v3 =	vperm.xlane v3, v2  }
0xaa: {  	[hbm4b:s4+s3] =	stream.indirect_vreg.scatter [tilespmem:s14], [sflag:$0x1], $0x80, v4, vm0, $0xb8;
	[tilespmem:$0x18180] =	vst v63  }
0xab: {  	v3 =	vadd.s32 v1, v3;
	s14 =	simm.s32 $0xF980  }
0xac: {  	[hbm4b:s5+s3] =	stream.indirect_vreg.scatter [tilespmem:s14], [sflag:$0x1], $0x80, v4, vm0, $0xb8;
	[tilespmem:$0x18180] =	vst v63  }
0xad: {  	s14 =	simm.s32 $0x10180  }
0xae: {  	[hbm4b:s6+s3] =	stream.indirect_vreg.scatter [tilespmem:s14], [sflag:$0x1], $0x80, v4, vm0, $0xb8;
	[tilespmem:$0x18180] =	vst v63  }
0xaf: {  	s14 =	simm.s32 $0x10980  }
0xb0: {  	[hbm4b:s4+s3] =	stream.indirect_vreg.scatter [tilespmem:s14], [sflag:$0x1], $0x80, v3, vm0, $0xb8;
	[tilespmem:$0x18180] =	vst v63  }
0xb1: {  	s14 =	simm.s32 $0x11180  }
0xb2: {  	[hbm4b:s5+s3] =	stream.indirect_vreg.scatter [tilespmem:s14], [sflag:$0x1], $0x80, v3, vm0, $0xb8;
	[tilespmem:$0x18180] =	vst v63  }
0xb3: {  	s14 =	simm.s32 $0x11980  }
0xb4: {  	[hbm4b:s6+s3] =	stream.indirect_vreg.scatter [tilespmem:s14], [sflag:$0x1], $0x80, v3, vm0, $0xb8;
	[tilespmem:$0x18180] =	vst v63  }
0xb5: {  	v3 =	vld [tilespmem:$0x160];
	_ =	sdelay $0x4  }
0xb6: {  	v43 =	vshrl.u32 v3, $0x3  }
0xb7: {  	v4 =	vmul.u32 $0x30, v43  }
0xb8: {  	v3 =	vand.u32 $0x7, v3  }
0xb9: {  	v3 =	vor.u32 v3, v4  }
0xba: {  	v4 =	vperm.xlane v3, v0;
	_ =	sdelay $0x1  }
0xbb: {  	v4 =	vadd.s32 v1, v4;
	_ =	sdelay $0x3  }
0xbc: {  	s14 =	simm.s32 $0x12180;
	v3 =	vperm.xlane v3, v2  }
0xbd: {  	[hbm4b:s4+s3] =	stream.indirect_vreg.scatter [tilespmem:s14], [sflag:$0x1], $0x80, v4, vm0, $0xb8;
	[tilespmem:$0x18180] =	vst v63  }
0xbe: {  	v3 =	vadd.s32 v1, v3;
	s14 =	simm.s32 $0x12980  }
0xbf: {  	[hbm4b:s5+s3] =	stream.indirect_vreg.scatter [tilespmem:s14], [sflag:$0x1], $0x80, v4, vm0, $0xb8;
	[tilespmem:$0x18180] =	vst v63  }
0xc0: {  	s14 =	simm.s32 $0x13180  }
0xc1: {  	[hbm4b:s6+s3] =	stream.indirect_vreg.scatter [tilespmem:s14], [sflag:$0x1], $0x80, v4, vm0, $0xb8;
	[tilespmem:$0x18180] =	vst v63  }
0xc2: {  	s14 =	simm.s32 $0x13980  }
0xc3: {  	[hbm4b:s4+s3] =	stream.indirect_vreg.scatter [tilespmem:s14], [sflag:$0x1], $0x80, v3, vm0, $0xb8;
	[tilespmem:$0x18180] =	vst v63  }
0xc4: {  	s14 =	simm.s32 $0x14180  }
0xc5: {  	[hbm4b:s5+s3] =	stream.indirect_vreg.scatter [tilespmem:s14], [sflag:$0x1], $0x80, v3, vm0, $0xb8;
	[tilespmem:$0x18180] =	vst v63  }
0xc6: {  	s14 =	simm.s32 $0x14980  }
0xc7: {  	[hbm4b:s6+s3] =	stream.indirect_vreg.scatter [tilespmem:s14], [sflag:$0x1], $0x80, v3, vm0, $0xb8;
	[tilespmem:$0x18180] =	vst v63  }
0xc8: {  	v3 =	vld [tilespmem:$0x170];
	_ =	sdelay $0x4  }
0xc9: {  	v44 =	vshrl.u32 v3, $0x3  }
0xca: {  	v4 =	vmul.u32 $0x30, v44  }
0xcb: {  	v3 =	vand.u32 $0x7, v3  }
0xcc: {  	v3 =	vor.u32 v3, v4  }
0xcd: {  	v4 =	vperm.xlane v3, v0;
	_ =	sdelay $0x1  }
0xce: {  	v4 =	vadd.s32 v1, v4;
	_ =	sdelay $0x3  }
0xcf: {  	s14 =	simm.s32 $0x15180;
	v3 =	vperm.xlane v3, v2  }
0xd0: {  	[hbm4b:s4+s3] =	stream.indirect_vreg.scatter [tilespmem:s14], [sflag:$0x1], $0x80, v4, vm0, $0xb8;
	[tilespmem:$0x18180] =	vst v63  }
0xd1: {  	v3 =	vadd.s32 v1, v3;
	s14 =	simm.s32 $0x15980  }
0xd2: {  	[hbm4b:s5+s3] =	stream.indirect_vreg.scatter [tilespmem:s14], [sflag:$0x1], $0x80, v4, vm0, $0xb8;
	[tilespmem:$0x18180] =	vst v63  }
0xd3: {  	s14 =	simm.s32 $0x16180  }
0xd4: {  	[hbm4b:s6+s3] =	stream.indirect_vreg.scatter [tilespmem:s14], [sflag:$0x1], $0x80, v4, vm0, $0xb8;
	[tilespmem:$0x18180] =	vst v63  }
0xd5: {  	s14 =	simm.s32 $0x16980  }
0xd6: {  	[hbm4b:s4+s3] =	stream.indirect_vreg.scatter [tilespmem:s14], [sflag:$0x1], $0x80, v3, vm0, $0xb8;
	[tilespmem:$0x18180] =	vst v63  }
0xd7: {  	s14 =	simm.s32 $0x17180  }
0xd8: {  	[hbm4b:s5+s3] =	stream.indirect_vreg.scatter [tilespmem:s14], [sflag:$0x1], $0x80, v3, vm0, $0xb8;
	[tilespmem:$0x18180] =	vst v63  }
0xd9: {  	s13 =	simm.s32 $0x17980  }
0xda: {  	[hbm4b:s6+s3] =	stream.indirect_vreg.scatter [tilespmem:s13], [sflag:$0x1], $0x80, v3, vm0, $0xb8;
	[tilespmem:$0x18180] =	vst v63  }
0xdb: {  	s14 =	rddreg [dreg:$0x7];
	s13 =	simm.s32 $0x100  }
0xdc: {  	[hbm4b:s14+s3] =	stream.linear.scatter [tilespmem:s13], [sflag:$0x2], $0x80, $0x38;
	[tilespmem:$0x18180] =	vst v63  }
0xdd: {  	_ =	swait.ge [sflag:s8], $0x80  }
0xde: {  	[sflag:s8] =	ssyncset.done $0x0  }
0xdf: {  	[sflag:s8] =	ssyncadd.s32 $0xFFFFFF80  }
0xe0: {  	_ =	swait.ge [sflag:s1], $0x18000  }
0xe1: {  	[sflag:s1] =	ssyncset.done $0x0  }
0xe2: {  	s14 =	rddreg [dreg:$0x8];
	[sflag:s1] =	ssyncadd.s32 $0xFFFE8000  }
0xe3: {  	[tilespmem:s15], [sflag:$0x2] =	stream.linear.gather [hbm4b:s14+s3], $0x80, $0x38;
	[tilespmem:$0x18180] =	vst v63  }
0xe4: {  	_ =	swait.ge [sflag:s8], $0x80  }
0xe5: {  	[sflag:s8] =	ssyncset.done $0x0  }
0xe6: {  	s15 =	rddreg [dreg:$0x9];
	[sflag:s8] =	ssyncadd.s32 $0xFFFFFF80  }
0xe7: {  	[tilespmem:s13], [sflag:$0x2] =	stream.linear.gather [hbm4b:s15+s3], $0x80, $0x38;
	[tilespmem:$0x18180] =	vst v63  }
0xe8: {  	_ =	swait.ge [sflag:s8], $0x80  }
0xe9: {  	[sflag:s8] =	ssyncset.done $0x0  }
0xea: {  	[sflag:s8] =	ssyncadd.s32 $0xFFFFFF80  }
0xeb: {  	v3 =	vld [tilespmem:$0x80];
	_ =	sdelay $0x5  }
0xec: {  	v45 =	vld [tilespmem:$0x100]  }
0xed: {  	v46 =	vld [tilespmem:$0x90]  }
0xee: {  	v3 =	vld.idx.msk [tilespmem:v3+s3+$0x0], $0xffff;
	_ =	sdelay $0x4  }
0xef: {  	v47 =	vld [tilespmem:$0x110];
	v3 =	vadd.s32 v45, v3  }
0xf0: {  	[tilespmem:$0x100] =	vst v3;
	v3 =	vld [tilespmem:$0xA0]  }
0xf1: {  	v5 =	vld.idx.msk [tilespmem:v46+s3+$0x0], $0xffff;
	_ =	sdelay $0x4  }
0xf2: {  	v48 =	vld [tilespmem:$0x120];
	v4 =	vadd.s32 v47, v5  }
0xf3: {  	v49 =	vld [tilespmem:$0xB0];
	[tilespmem:$0x110] =	vst v4  }
0xf4: {  	v3 =	vld.idx.msk [tilespmem:v3+s3+$0x0], $0xffff;
	_ =	sdelay $0x4  }
0xf5: {  	v50 =	vld [tilespmem:$0x130];
	v3 =	vadd.s32 v48, v3  }
0xf6: {  	[tilespmem:$0x120] =	vst v3;
	v3 =	vld [tilespmem:$0xC0]  }
0xf7: {  	v4 =	vld.idx.msk [tilespmem:v49+s3+$0x0], $0xffff;
	_ =	sdelay $0x4  }
0xf8: {  	v51 =	vld [tilespmem:$0x140];
	v4 =	vadd.s32 v50, v4  }
0xf9: {  	v52 =	vld [tilespmem:$0xD0];
	[tilespmem:$0x130] =	vst v4  }
0xfa: {  	v3 =	vld.idx.msk [tilespmem:v3+s3+$0x0], $0xffff;
	_ =	sdelay $0x4  }
0xfb: {  	v53 =	vld [tilespmem:$0x150];
	v3 =	vadd.s32 v51, v3  }
0xfc: {  	[tilespmem:$0x140] =	vst v3;
	v3 =	vld [tilespmem:$0xE0]  }
0xfd: {  	v4 =	vld.idx.msk [tilespmem:v52+s3+$0x0], $0xffff;
	_ =	sdelay $0x4  }
0xfe: {  	v54 =	vld [tilespmem:$0x160];
	v4 =	vadd.s32 v53, v4  }
0xff: {  	v55 =	vld [tilespmem:$0xF0];
	[tilespmem:$0x150] =	vst v4  }
0x100: {  	v3 =	vld.idx.msk [tilespmem:v3+s3+$0x0], $0xffff;
	_ =	sdelay $0x4  }
0x101: {  	v3 =	vadd.s32 v54, v3  }
0x102: {  	[tilespmem:$0x160] =	vst v3;
	v3 =	vld [tilespmem:$0x170]  }
0x103: {  	v4 =	vld.idx.msk [tilespmem:v55+s3+$0x0], $0xffff;
	_ =	sdelay $0x4  }
0x104: {  	v3 =	vadd.s32 v3, v4  }
0x105: {  	s13 =	rddreg [dreg:$0xa];
	[tilespmem:$0x170] =	vst v3  }
0x106: {  	[tilespmem:s0], [sflag:$0x2] =	stream.linear.gather [hbm4b:s13+s3], $0x18000, $0x38;
	[tilespmem:$0x18180] =	vst v63  }
0x107: {  	_ =	swait.ge [sflag:s8], $0x18000  }
0x108: {  	[sflag:s8] =	ssyncset.done $0x0  }
0x109: {  	[sflag:s8] =	ssyncadd.s32 $0xFFFE8000  }
0x10a: {  	v3 =	vld [tilespmem:$0x100];
	_ =	sdelay $0x4  }
0x10b: {  	v56 =	vshrl.u32 v3, $0x3  }
0x10c: {  	v4 =	vmul.u32 $0x30, v56  }
0x10d: {  	v3 =	vand.u32 $0x7, v3  }
0x10e: {  	v3 =	vor.u32 v3, v4  }
0x10f: {  	v4 =	vperm.xlane v3, v0;
	_ =	sdelay $0x1  }
0x110: {  	v4 =	vadd.s32 v1, v4;
	_ =	sdelay $0x3  }
0x111: {  	v3 =	vperm.xlane v3, v2  }
0x112: {  	[hbm4b:s4+s3] =	stream.indirect_vreg.scatter [tilespmem:s0], [sflag:$0x1], $0x80, v4, vm0, $0xb8;
	[tilespmem:$0x18180] =	vst v63  }
0x113: {  	v3 =	vadd.s32 v1, v3  }
0x114: {  	[hbm4b:s5+s3] =	stream.indirect_vreg.scatter [tilespmem:s16], [sflag:$0x1], $0x80, v4, vm0, $0xb8;
	[tilespmem:$0x18180] =	vst v63  }
0x115: {  	_ = 	snop  }
0x116: {  	[hbm4b:s6+s3] =	stream.indirect_vreg.scatter [tilespmem:s17], [sflag:$0x1], $0x80, v4, vm0, $0xb8;
	[tilespmem:$0x18180] =	vst v63  }
0x117: {  	_ = 	snop  }
0x118: {  	[hbm4b:s4+s3] =	stream.indirect_vreg.scatter [tilespmem:s18], [sflag:$0x1], $0x80, v3, vm0, $0xb8;
	[tilespmem:$0x18180] =	vst v63  }
0x119: {  	_ = 	snop  }
0x11a: {  	[hbm4b:s5+s3] =	stream.indirect_vreg.scatter [tilespmem:s19], [sflag:$0x1], $0x80, v3, vm0, $0xb8;
	[tilespmem:$0x18180] =	vst v63  }
0x11b: {  	_ = 	snop  }
0x11c: {  	[hbm4b:s6+s3] =	stream.indirect_vreg.scatter [tilespmem:s20], [sflag:$0x1], $0x80, v3, vm0, $0xb8;
	[tilespmem:$0x18180] =	vst v63  }
0x11d: {  	v3 =	vld [tilespmem:$0x110];
	_ =	sdelay $0x4  }
0x11e: {  	v57 =	vshrl.u32 v3, $0x3  }
0x11f: {  	v4 =	vmul.u32 $0x30, v57  }
0x120: {  	v3 =	vand.u32 $0x7, v3  }
0x121: {  	v3 =	vor.u32 v3, v4  }
0x122: {  	v4 =	vperm.xlane v3, v0;
	_ =	sdelay $0x1  }
0x123: {  	v4 =	vadd.s32 v1, v4;
	_ =	sdelay $0x3  }
0x124: {  	v3 =	vperm.xlane v3, v2  }
0x125: {  	[hbm4b:s4+s3] =	stream.indirect_vreg.scatter [tilespmem:s21], [sflag:$0x1], $0x80, v4, vm0, $0xb8;
	[tilespmem:$0x18180] =	vst v63  }
0x126: {  	v3 =	vadd.s32 v1, v3  }
0x127: {  	[hbm4b:s5+s3] =	stream.indirect_vreg.scatter [tilespmem:s22], [sflag:$0x1], $0x80, v4, vm0, $0xb8;
	[tilespmem:$0x18180] =	vst v63  }
0x128: {  	_ = 	snop  }
0x129: {  	[hbm4b:s6+s3] =	stream.indirect_vreg.scatter [tilespmem:s23], [sflag:$0x1], $0x80, v4, vm0, $0xb8;
	[tilespmem:$0x18180] =	vst v63  }
0x12a: {  	_ = 	snop  }
0x12b: {  	[hbm4b:s4+s3] =	stream.indirect_vreg.scatter [tilespmem:s24], [sflag:$0x1], $0x80, v3, vm0, $0xb8;
	[tilespmem:$0x18180] =	vst v63  }
0x12c: {  	_ = 	snop  }
0x12d: {  	[hbm4b:s5+s3] =	stream.indirect_vreg.scatter [tilespmem:s25], [sflag:$0x1], $0x80, v3, vm0, $0xb8;
	[tilespmem:$0x18180] =	vst v63  }
0x12e: {  	_ = 	snop  }
0x12f: {  	[hbm4b:s6+s3] =	stream.indirect_vreg.scatter [tilespmem:s26], [sflag:$0x1], $0x80, v3, vm0, $0xb8;
	[tilespmem:$0x18180] =	vst v63  }
0x130: {  	v3 =	vld [tilespmem:$0x120];
	_ =	sdelay $0x4  }
0x131: {  	v58 =	vshrl.u32 v3, $0x3  }
0x132: {  	v4 =	vmul.u32 $0x30, v58  }
0x133: {  	v3 =	vand.u32 $0x7, v3  }
0x134: {  	v3 =	vor.u32 v3, v4  }
0x135: {  	v4 =	vperm.xlane v3, v0;
	_ =	sdelay $0x1  }
0x136: {  	v4 =	vadd.s32 v1, v4;
	_ =	sdelay $0x3  }
0x137: {  	v3 =	vperm.xlane v3, v2  }
0x138: {  	[hbm4b:s4+s3] =	stream.indirect_vreg.scatter [tilespmem:s28], [sflag:$0x1], $0x80, v4, vm0, $0xb8;
	[tilespmem:$0x18180] =	vst v63  }
0x139: {  	v3 =	vadd.s32 v1, v3  }
0x13a: {  	[hbm4b:s5+s3] =	stream.indirect_vreg.scatter [tilespmem:s29], [sflag:$0x1], $0x80, v4, vm0, $0xb8;
	[tilespmem:$0x18180] =	vst v63  }
0x13b: {  	_ = 	snop  }
0x13c: {  	[hbm4b:s6+s3] =	stream.indirect_vreg.scatter [tilespmem:s30], [sflag:$0x1], $0x80, v4, vm0, $0xb8;
	[tilespmem:$0x18180] =	vst v63  }
0x13d: {  	_ = 	snop  }
0x13e: {  	[hbm4b:s4+s3] =	stream.indirect_vreg.scatter [tilespmem:s31], [sflag:$0x1], $0x80, v3, vm0, $0xb8;
	[tilespmem:$0x18180] =	vst v63  }
0x13f: {  	_ = 	snop  }
0x140: {  	[hbm4b:s5+s3] =	stream.indirect_vreg.scatter [tilespmem:s11], [sflag:$0x1], $0x80, v3, vm0, $0xb8;
	[tilespmem:$0x18180] =	vst v63  }
0x141: {  	_ = 	snop  }
0x142: {  	[hbm4b:s6+s3] =	stream.indirect_vreg.scatter [tilespmem:s2], [sflag:$0x1], $0x80, v3, vm0, $0xb8;
	[tilespmem:$0x18180] =	vst v63  }
0x143: {  	v3 =	vld [tilespmem:$0x130];
	_ =	sdelay $0x4  }
0x144: {  	v59 =	vshrl.u32 v3, $0x3  }
0x145: {  	v4 =	vmul.u32 $0x30, v59  }
0x146: {  	v3 =	vand.u32 $0x7, v3  }
0x147: {  	v3 =	vor.u32 v3, v4  }
0x148: {  	v4 =	vperm.xlane v3, v0;
	_ =	sdelay $0x1  }
0x149: {  	v4 =	vadd.s32 v1, v4;
	_ =	sdelay $0x3  }
0x14a: {  	s13 =	simm.s32 $0x9180;
	v3 =	vperm.xlane v3, v2  }
0x14b: {  	[hbm4b:s4+s3] =	stream.indirect_vreg.scatter [tilespmem:s13], [sflag:$0x1], $0x80, v4, vm0, $0xb8;
	[tilespmem:$0x18180] =	vst v63  }
0x14c: {  	v3 =	vadd.s32 v1, v3  }
0x14d: {  	[hbm4b:s5+s3] =	stream.indirect_vreg.scatter [tilespmem:s9], [sflag:$0x1], $0x80, v4, vm0, $0xb8;
	[tilespmem:$0x18180] =	vst v63  }
0x14e: {  	_ = 	snop  }
0x14f: {  	[hbm4b:s6+s3] =	stream.indirect_vreg.scatter [tilespmem:s12], [sflag:$0x1], $0x80, v4, vm0, $0xb8;
	[tilespmem:$0x18180] =	vst v63  }
0x150: {  	_ = 	snop  }
0x151: {  	[hbm4b:s4+s3] =	stream.indirect_vreg.scatter [tilespmem:s10], [sflag:$0x1], $0x80, v3, vm0, $0xb8;
	[tilespmem:$0x18180] =	vst v63  }
0x152: {  	s14 =	simm.s32 $0xB180  }
0x153: {  	[hbm4b:s5+s3] =	stream.indirect_vreg.scatter [tilespmem:s14], [sflag:$0x1], $0x80, v3, vm0, $0xb8;
	[tilespmem:$0x18180] =	vst v63  }
0x154: {  	s9 =	simm.s32 $0xB980  }
0x155: {  	[hbm4b:s6+s3] =	stream.indirect_vreg.scatter [tilespmem:s9], [sflag:$0x1], $0x80, v3, vm0, $0xb8;
	[tilespmem:$0x18180] =	vst v63  }
0x156: {  	v3 =	vld [tilespmem:$0x140];
	_ =	sdelay $0x4  }
0x157: {  	v60 =	vshrl.u32 v3, $0x3  }
0x158: {  	v4 =	vmul.u32 $0x30, v60  }
0x159: {  	v3 =	vand.u32 $0x7, v3  }
0x15a: {  	v3 =	vor.u32 v3, v4  }
0x15b: {  	v4 =	vperm.xlane v3, v0;
	_ =	sdelay $0x1  }
0x15c: {  	v4 =	vadd.s32 v1, v4;
	_ =	sdelay $0x3  }
0x15d: {  	s13 =	simm.s32 $0xC180;
	v3 =	vperm.xlane v3, v2  }
0x15e: {  	[hbm4b:s4+s3] =	stream.indirect_vreg.scatter [tilespmem:s13], [sflag:$0x1], $0x80, v4, vm0, $0xb8;
	[tilespmem:$0x18180] =	vst v63  }
0x15f: {  	s14 =	simm.s32 $0xC980;
	v3 =	vadd.s32 v1, v3  }
0x160: {  	[hbm4b:s5+s3] =	stream.indirect_vreg.scatter [tilespmem:s14], [sflag:$0x1], $0x80, v4, vm0, $0xb8;
	[tilespmem:$0x18180] =	vst v63  }
0x161: {  	s9 =	simm.s32 $0xD180  }
0x162: {  	[hbm4b:s6+s3] =	stream.indirect_vreg.scatter [tilespmem:s9], [sflag:$0x1], $0x80, v4, vm0, $0xb8;
	[tilespmem:$0x18180] =	vst v63  }
0x163: {  	s13 =	simm.s32 $0xD980  }
0x164: {  	[hbm4b:s4+s3] =	stream.indirect_vreg.scatter [tilespmem:s13], [sflag:$0x1], $0x80, v3, vm0, $0xb8;
	[tilespmem:$0x18180] =	vst v63  }
0x165: {  	s14 =	simm.s32 $0xE180  }
0x166: {  	[hbm4b:s5+s3] =	stream.indirect_vreg.scatter [tilespmem:s14], [sflag:$0x1], $0x80, v3, vm0, $0xb8;
	[tilespmem:$0x18180] =	vst v63  }
0x167: {  	s9 =	simm.s32 $0xE980  }
0x168: {  	[hbm4b:s6+s3] =	stream.indirect_vreg.scatter [tilespmem:s9], [sflag:$0x1], $0x80, v3, vm0, $0xb8;
	[tilespmem:$0x18180] =	vst v63  }
0x169: {  	v3 =	vld [tilespmem:$0x150];
	_ =	sdelay $0x4  }
0x16a: {  	v61 =	vshrl.u32 v3, $0x3  }
0x16b: {  	v4 =	vmul.u32 $0x30, v61  }
0x16c: {  	v3 =	vand.u32 $0x7, v3  }
0x16d: {  	v3 =	vor.u32 v3, v4  }
0x16e: {  	v4 =	vperm.xlane v3, v0;
	_ =	sdelay $0x1  }
0x16f: {  	v4 =	vadd.s32 v1, v4;
	_ =	sdelay $0x3  }
0x170: {  	s13 =	simm.s32 $0xF180;
	v3 =	vperm.xlane v3, v2  }
0x171: {  	[hbm4b:s4+s3] =	stream.indirect_vreg.scatter [tilespmem:s13], [sflag:$0x1], $0x80, v4, vm0, $0xb8;
	[tilespmem:$0x18180] =	vst v63  }
0x172: {  	s14 =	simm.s32 $0xF980;
	v3 =	vadd.s32 v1, v3  }
0x173: {  	[hbm4b:s5+s3] =	stream.indirect_vreg.scatter [tilespmem:s14], [sflag:$0x1], $0x80, v4, vm0, $0xb8;
	[tilespmem:$0x18180] =	vst v63  }
0x174: {  	s9 =	simm.s32 $0x10180  }
0x175: {  	[hbm4b:s6+s3] =	stream.indirect_vreg.scatter [tilespmem:s9], [sflag:$0x1], $0x80, v4, vm0, $0xb8;
	[tilespmem:$0x18180] =	vst v63  }
0x176: {  	s13 =	simm.s32 $0x10980  }
0x177: {  	[hbm4b:s4+s3] =	stream.indirect_vreg.scatter [tilespmem:s13], [sflag:$0x1], $0x80, v3, vm0, $0xb8;
	[tilespmem:$0x18180] =	vst v63  }
0x178: {  	s14 =	simm.s32 $0x11180  }
0x179: {  	[hbm4b:s5+s3] =	stream.indirect_vreg.scatter [tilespmem:s14], [sflag:$0x1], $0x80, v3, vm0, $0xb8;
	[tilespmem:$0x18180] =	vst v63  }
0x17a: {  	s9 =	simm.s32 $0x11980  }
0x17b: {  	[hbm4b:s6+s3] =	stream.indirect_vreg.scatter [tilespmem:s9], [sflag:$0x1], $0x80, v3, vm0, $0xb8;
	[tilespmem:$0x18180] =	vst v63  }
0x17c: {  	v3 =	vld [tilespmem:$0x160];
	_ =	sdelay $0x4  }
0x17d: {  	v62 =	vshrl.u32 v3, $0x3  }
0x17e: {  	v4 =	vmul.u32 $0x30, v62  }
0x17f: {  	v3 =	vand.u32 $0x7, v3  }
0x180: {  	v3 =	vor.u32 v3, v4  }
0x181: {  	v4 =	vperm.xlane v3, v0;
	_ =	sdelay $0x1  }
0x182: {  	v4 =	vadd.s32 v1, v4;
	_ =	sdelay $0x3  }
0x183: {  	s13 =	simm.s32 $0x12180;
	v3 =	vperm.xlane v3, v2  }
0x184: {  	[hbm4b:s4+s3] =	stream.indirect_vreg.scatter [tilespmem:s13], [sflag:$0x1], $0x80, v4, vm0, $0xb8;
	[tilespmem:$0x18180] =	vst v63  }
0x185: {  	s14 =	simm.s32 $0x12980;
	v3 =	vadd.s32 v1, v3  }
0x186: {  	[hbm4b:s5+s3] =	stream.indirect_vreg.scatter [tilespmem:s14], [sflag:$0x1], $0x80, v4, vm0, $0xb8;
	[tilespmem:$0x18180] =	vst v63  }
0x187: {  	s9 =	simm.s32 $0x13180  }
0x188: {  	[hbm4b:s6+s3] =	stream.indirect_vreg.scatter [tilespmem:s9], [sflag:$0x1], $0x80, v4, vm0, $0xb8;
	[tilespmem:$0x18180] =	vst v63  }
0x189: {  	s13 =	simm.s32 $0x13980  }
0x18a: {  	[hbm4b:s4+s3] =	stream.indirect_vreg.scatter [tilespmem:s13], [sflag:$0x1], $0x80, v3, vm0, $0xb8;
	[tilespmem:$0x18180] =	vst v63  }
0x18b: {  	s14 =	simm.s32 $0x14180  }
0x18c: {  	[hbm4b:s5+s3] =	stream.indirect_vreg.scatter [tilespmem:s14], [sflag:$0x1], $0x80, v3, vm0, $0xb8;
	[tilespmem:$0x18180] =	vst v63  }
0x18d: {  	s9 =	simm.s32 $0x14980  }
0x18e: {  	[hbm4b:s6+s3] =	stream.indirect_vreg.scatter [tilespmem:s9], [sflag:$0x1], $0x80, v3, vm0, $0xb8;
	[tilespmem:$0x18180] =	vst v63  }
0x18f: {  	v3 =	vld [tilespmem:$0x170];
	_ =	sdelay $0x4  }
0x190: {  	v63 =	vshrl.u32 v3, $0x3  }
0x191: {  	v4 =	vmul.u32 $0x30, v63  }
0x192: {  	v3 =	vand.u32 $0x7, v3  }
0x193: {  	v3 =	vor.u32 v3, v4  }
0x194: {  	v4 =	vperm.xlane v3, v0;
	_ =	sdelay $0x1  }
0x195: {  	v4 =	vadd.s32 v1, v4;
	_ =	sdelay $0x3  }
0x196: {  	s13 =	simm.s32 $0x15180;
	v3 =	vperm.xlane v3, v2  }
0x197: {  	[hbm4b:s4+s3] =	stream.indirect_vreg.scatter [tilespmem:s13], [sflag:$0x1], $0x80, v4, vm0, $0xb8;
	[tilespmem:$0x18180] =	vst v63  }
0x198: {  	s14 =	simm.s32 $0x15980;
	v3 =	vadd.s32 v1, v3  }
0x199: {  	[hbm4b:s5+s3] =	stream.indirect_vreg.scatter [tilespmem:s14], [sflag:$0x1], $0x80, v4, vm0, $0xb8;
	[tilespmem:$0x18180] =	vst v63  }
0x19a: {  	s9 =	simm.s32 $0x16180  }
0x19b: {  	[hbm4b:s6+s3] =	stream.indirect_vreg.scatter [tilespmem:s9], [sflag:$0x1], $0x80, v4, vm0, $0xb8;
	[tilespmem:$0x18180] =	vst v63  }
0x19c: {  	s13 =	simm.s32 $0x16980  }
0x19d: {  	[hbm4b:s4+s3] =	stream.indirect_vreg.scatter [tilespmem:s13], [sflag:$0x1], $0x80, v3, vm0, $0xb8;
	[tilespmem:$0x18180] =	vst v63  }
0x19e: {  	s14 =	simm.s32 $0x17180  }
0x19f: {  	[hbm4b:s5+s3] =	stream.indirect_vreg.scatter [tilespmem:s14], [sflag:$0x1], $0x80, v3, vm0, $0xb8;
	[tilespmem:$0x18180] =	vst v63  }
0x1a0: {  	s13 =	simm.s32 $0x17980  }
0x1a1: {  	[hbm4b:s6+s3] =	stream.indirect_vreg.scatter [tilespmem:s13], [sflag:$0x1], $0x80, v3, vm0, $0xb8;
	[tilespmem:$0x18180] =	vst v63  }
0x1a2: {  	s15 =	simm.s32 $0x100;
	s9 =	rddreg [dreg:$0xb]  }
0x1a3: {  	[hbm4b:s9+s3] =	stream.linear.scatter [tilespmem:s15], [sflag:$0x2], $0x80, $0x38;
	[tilespmem:$0x18180] =	vst v63  }
0x1a4: {  	p0 =	sne.s32 s7, $0x1;
	_ =	swait.ge [sflag:s8], $0x80  }
.Ltmp0:
0x1a5: {  	[sflag:s8] =	ssyncset.done $0x0;
	(pc) =	sbr.rel @p0 .LBB2_1-.Ltmp0, $4  }
0x1a6: {  	[sflag:s8] =	ssyncadd.s32 $0xFFFFFF80  }
0x1a7: {  	_ =	swait.ge [sflag:s1], $0x18000  }
0x1a8: {  	[sflag:s1] =	ssyncset.done $0x0  }
0x1a9: {  	s7 =	sadd.s32 $0xFFFFFFFF, s7;
	[sflag:s1] =	ssyncadd.s32 $0xFFFE8000  }
0x1aa: {  	_ =	sfence.sel $0x180000  }
0x1ab: {  	[bflag:$0x0] =	sbarrier.arrive $0xFFFF  }
0x1ac: {  	_ =	strace $0x90000047  }
0x1ad: {  	s0 =	stileid.u32;
	[bflag:$0x2] =	sbarrier.arrive $0xFFFF  }
0x1ae: {  	p0 =	sne.s32 s0, $0x0;
	s0 =	rddreg [dreg:$0x3]  }
0x1af: {  	s0 =	sadd.s32 @!p0 $0x100000, s0  }
0x1b0: {  	[sflag:s0] =	ssyncadd.tile.s32 @!p0 $0x1;
	_ =	shalt  }
.Lfunc_end2:
_tile_overlayer_lowered:
.L_overlay_start_2:
0x1b1: {  	(tag) =	ssettag $0x2  }
0x1b2: {  	s0 =	rddreg [dreg:$0x0];
	s2 =	stileid.u32  }
0x1b3: {  	s1 =	rddreg [dreg:$0x1];
	p0 =	sne.s32 s2, $0x0  }
0x1b4: {  	s3 =	rddreg [dreg:$0x2];
	[bflag:$0x3] =	sbarrier.arrive $0xFFFF;
	s2 =	simm.s32 @!p0 $0x1C02  }
0x1b5: {  	[timem:s3], [sflag:s2] =	dma.local @!p0 [hbm:s0], s1  }
0x1b6: {  	s0 =	simm.s32 @!p0 $0x2  }
0x1b7: {  	_ =	swait.ge @!p0 [sflag:s0], s1  }
0x1b8: {  	s1 =	ssub.s32 @!p0 $0x0, s1;
	[sflag:s0] =	ssyncset.done @!p0 $0x0  }
0x1b9: {  	[sflag:s0] =	ssyncadd.s32 @!p0 s1  }
0x1ba: {  	[bflag:$0x3] =	sbarrier.arrive $0xFFFF  }
0x1bb: {  	_ =	shalt  }

// kernel: kernel.9.cloned.1.call-start
scs
__scs_entry_jumppad:
0x0: {  	(pc) =	sbr.rel $0x88, $3  }
0x1: {  	(tag) =	ssettag $0x0;
	lr =	simm.s32 $0x1  }
0x2: {  	[smem:$0x3F98] =	sst lr;
	_ =	strace $0xD0000000  }
0x3: {  	_ = 	snop  }
0x4: {  	_ = 	snop  }
0x5: {  	_ = 	snop  }
0x6: {  	_ = 	snop  }
0x7: {  	_ = 	snop  }
__scs_overlays_trampoline_lowered:
0x8: {  	[smem:$0x3FA7] =	sst s0  }
0x9: {  	[smem:$0x3FA8] =	sst s1  }
0xa: {  	[smem:$0x3FA9] =	sst s2  }
0xb: {  	[smem:$0x3FAA] =	sst s3  }
0xc: {  	[smem:$0x3FAB] =	sst s4  }
0xd: {  	[smem:$0x3FAC] =	sst s5  }
0xe: {  	[smem:$0x3FAD] =	sst s6  }
0xf: {  	[smem:$0x3FAE] =	sst s7  }
0x10: {  	[smem:$0x3FAF] =	sst s8  }
0x11: {  	[smem:$0x3FB0] =	sst s9;
	s0 =	simm.s32 @!p0 $0x0  }
0x12: {  	s1 =	sld [smem:$0x3F96];
	s0 =	simm.s32 @p0 $0x1  }
0x13: {  	[smem:$0x3FB1] =	sst s0;
	s0 =	simm.s32 @!p1 $0x0  }
0x14: {  	s2 =	sld [smem:$0x3F95];
	s0 =	simm.s32 @p1 $0x1  }
0x15: {  	[smem:$0x3FB2] =	sst s0;
	s0 =	simm.s32 @!p2 $0x0  }
0x16: {  	s3 =	sld [smem:$0x3FDB];
	s0 =	simm.s32 @p2 $0x1  }
0x17: {  	s4 =	simm.s32 $0x1BF5;
	[smem:$0x3FB4] =	sst s0  }
0x18: {  	s0 =	sld [smem:$0x3F97];
	_ =	swait.ge [sflag:s4], $0x0  }
0x19: {  	s7 =	sld [smem:$0x3F98]  }
0x1a: {  	s8 =	sadd.s32 $0xFFFFE003, lr  }
0x1b: {  	s9 =	sadd.s32 $0xFFFFFEF7, lr;
	s5 =	simm.s32 $0xFFFFFFFF;
	p2 =	slt.u32 s8, $0xFFFFF086  }
0x1c: {  	p1 =	slt.u32 s9, $0xF7A;
	s5 =	simm.s32 @!p2 $0x0  }
0x1d: {  	s5 =	simm.s32 @p1 $0x1;
	p0 =	seq.s32 s7, s2  }
0x1e: {  	s7 =	smul.u32 @!p0 $0xF7A, s2;
	p2 =	seq.s32 @!p0 s5, $0x0  }
0x1f: {  	s9 =	smul.u32 $0xF7A, s1;
	s8 =	simm.s32 @!p0 $0x1BF5;
	p2 =	por !p2, p0  }
0x20: {  	[sflag:s8] =	ssyncset.s32 @!p0 $0xFFFFF086;
	s6 =	sadd.s32 @!p0 s3, s7;
	s7 =	simm.s32 @!p0 $0x108  }
0x21: {  	s3 =	sadd.s32 s3, s9;
	s6 =	sadd.s32 @!p0 $0x88, s6;
	s7 =	simm.s32 @p2 $0x1082  }
0x22: {  	[simem:s7], [sflag:s8] =	dma.local @!p0 [hbm:s6], $0xF7A  }
0x23: {  	s9 =	sor.u32 $0xD0000000, s2;
	s6 =	simm.s32 $0x108;
	_ =	swait.ge @!p0 [sflag:s8], $0x0  }
0x24: {  	s3 =	sadd.s32 $0x88, s3;
	s6 =	simm.s32 @!p1 $0x1082;
	[sflag:s4] =	ssyncset.s32 $0xFFFFF086  }
0x25: {  	[simem:s6], [sflag:s4] =	dma.local [hbm:s3], $0xF7A  }
0x26: {  	[smem:$0x3F98] =	sst s1;
	(tag) =	ssettag s2;
	_ =	strace s9  }
0x27: {  	s1 =	sld [smem:$0x3FA8]  }
0x28: {  	s2 =	sld [smem:$0x3FA9]  }
0x29: {  	s4 =	sld [smem:$0x3FAB]  }
0x2a: {  	p0 =	seq.s32 s5, $0x0;
	s5 =	sld [smem:$0x3FAC]  }
0x2b: {  	s6 =	sld [smem:$0x3FAD]  }
0x2c: {  	s7 =	sld [smem:$0x3FAE]  }
0x2d: {  	s3 =	simm.s32 $0x108;
	s8 =	sld [smem:$0x3FAF]  }
0x2e: {  	s3 =	simm.s32 @!p0 $0x1082;
	s9 =	sld [smem:$0x3FB0]  }
0x2f: {  	lr =	sadd.s32 s0, s3;
	s0 =	sld [smem:$0x3FA7]  }
0x30: {  	s3 =	sld [smem:$0x3FAA]  }
0x31: {  	[smem:$0x3FB3] =	sst s10  }
0x32: {  	s10 =	sld [smem:$0x3FB1];
	_ =	sdelay $0x3  }
0x33: {  	p0 =	seq.s32 s10, $0x1;
	s10 =	sld [smem:$0x3FB3];
	_ =	sdelay $0x3  }
0x34: {  	[smem:$0x3FB3] =	sst s10  }
0x35: {  	s10 =	sld [smem:$0x3FB2];
	_ =	sdelay $0x3  }
0x36: {  	p1 =	seq.s32 s10, $0x1;
	s10 =	sld [smem:$0x3FB3];
	_ =	sdelay $0x3  }
0x37: {  	[smem:$0x3FB3] =	sst s10  }
0x38: {  	s10 =	sld [smem:$0x3FB4]  }
0x39: {  	_ = 	snop;
	(pc) =	sbr.ind lr, $3  }
0x3a: {  	_ = 	snop  }
0x3b: {  	_ = 	snop  }
0x3c: {  	p2 =	seq.s32 s10, $0x1;
	s10 =	sld [smem:$0x3FB3]  }
0x3d: {  	_ =	shalt  }
0x3e: {  	_ =	shalt  }
0x3f: {  	_ =	shalt  }
0x40: {  	_ =	shalt  }
0x41: {  	_ =	shalt  }
0x42: {  	_ =	shalt  }
0x43: {  	_ =	shalt  }
0x44: {  	_ =	shalt  }
0x45: {  	_ =	shalt  }
0x46: {  	_ =	shalt  }
0x47: {  	_ =	shalt  }
0x48: {  	_ =	shalt  }
0x49: {  	_ =	shalt  }
0x4a: {  	_ =	shalt  }
0x4b: {  	_ =	shalt  }
0x4c: {  	_ =	shalt  }
0x4d: {  	_ =	shalt  }
0x4e: {  	_ =	shalt  }
0x4f: {  	_ =	shalt  }
0x50: {  	_ =	shalt  }
0x51: {  	_ =	shalt  }
0x52: {  	_ =	shalt  }
0x53: {  	_ =	shalt  }
0x54: {  	_ =	shalt  }
0x55: {  	_ =	shalt  }
0x56: {  	_ =	shalt  }
0x57: {  	_ =	shalt  }
0x58: {  	_ =	shalt  }
0x59: {  	_ =	shalt  }
0x5a: {  	_ =	shalt  }
0x5b: {  	_ =	shalt  }
0x5c: {  	_ =	shalt  }
0x5d: {  	_ =	shalt  }
0x5e: {  	_ =	shalt  }
0x5f: {  	_ =	shalt  }
0x60: {  	_ =	shalt  }
0x61: {  	_ =	shalt  }
0x62: {  	_ =	shalt  }
0x63: {  	_ =	shalt  }
0x64: {  	_ =	shalt  }
0x65: {  	_ =	shalt  }
0x66: {  	_ =	shalt  }
0x67: {  	_ =	shalt  }
0x68: {  	_ =	shalt  }
0x69: {  	_ =	shalt  }
0x6a: {  	_ =	shalt  }
0x6b: {  	_ =	shalt  }
0x6c: {  	_ =	shalt  }
0x6d: {  	_ =	shalt  }
0x6e: {  	_ =	shalt  }
0x6f: {  	_ =	shalt  }
0x70: {  	_ =	shalt  }
0x71: {  	_ =	shalt  }
0x72: {  	_ =	shalt  }
0x73: {  	_ =	shalt  }
0x74: {  	_ =	shalt  }
0x75: {  	_ =	shalt  }
0x76: {  	_ =	shalt  }
0x77: {  	_ =	shalt  }
0x78: {  	_ =	shalt  }
0x79: {  	_ =	shalt  }
0x7a: {  	_ =	shalt  }
0x7b: {  	_ =	shalt  }
0x7c: {  	_ =	shalt  }
0x7d: {  	_ =	shalt  }
0x7e: {  	_ =	shalt  }
0x7f: {  	_ =	shalt  }
0x80: {  	_ =	shalt  }
0x81: {  	_ =	shalt  }
0x82: {  	_ =	shalt  }
0x83: {  	_ =	shalt  }
0x84: {  	_ =	shalt  }
0x85: {  	_ =	shalt  }
0x86: {  	_ =	shalt  }
0x87: {  	_ =	shalt  }
.Lfunc_end0:
.L_simem_size_0:
called_computation.1_lowered:
.L_overlay_start_0:
0x88: {  	s2 =	sld [smem:$0x3FD9]  }
0x89: {  	s3 =	sld [smem:$0x3FFE];
	_ =	sdelay $0x1  }
0x8a: {  	s1 =	srdreg.scid  }
0x8b: {  	s0 =	sand.u32 $0x1, s1  }
0x8c: {  	s17 =	sshll.u32 s0, $0xA;
	s2 =	sadd.s32 s3, s2  }
0x8d: {  	s2 =	sadd.s32 s2, s17  }
0x8e: {  	[smem:$0x3FBF] =	sst s2  }
0x8f: {  	_ = 	snop  }
0x90: {  	s2 =	sld [smem:$0x3FC1]  }
0x91: {  	s18 =	sld [smem:$0x3FD0];
	(tm) =	ssettm $0x1  }
0x92: {  	s4 =	sld [smem:$0x3FFB];
	_ =	sdelay $0x3  }
0x93: {  	_ =	strace s4  }
0x94: {  	s4 =	sld [smem:$0x3FFC];
	_ =	sdelay $0x3  }
0x95: {  	_ =	strace s4  }
0x96: {  	s4 =	sld [smem:$0x3FFD];
	_ =	sdelay $0x3  }
0x97: {  	_ =	strace s4  }
0x98: {  	_ =	strace $0x8FFFFFFF  }
0x99: {  	s19 =	sld [smem:$0x3FDB];
	_ =	sdelay $0x1  }
0x9a: {  	s5 =	simm.s32 $_scs_section_size  }
0x9b: {  	s6 =	simm.s32 $_size__tile_overlayer_lowered;
	s7 =	simm.s32 $_tile_overlayer_lowered  }
0x9c: {  	s22 =	simm.s32 $0x1BFF;
	s21 =	sshll.u32 s7, $0x1;
	s4 =	sadd.s32 s5, s19  }
0x9d: {  	s8 =	simm.s32 $0x0;
	s20 =	sshll.u32 s6, $0x1;
	s6 =	sadd.s32 s21, s4  }
0x9e: {  	[timem:s8], [sflag:s22] =	dma.local [hbm:s6], s20  }
0x9f: {  	_ =	swait.ge [sflag:s22], s20  }
0xa0: {  	s5 =	ssub.s32 $0x0, s20;
	[sflag:s22] =	ssyncset.done $0x0  }
0xa1: {  	[sflag:s22] =	ssyncadd.s32 s5;
	_ =	sdelay $0x1  }
0xa2: {  	s23 =	simm.s32 $0x1B8B  }
0xa3: {  	_ =	swait.ge [sflag:s23], $0x1  }
0xa4: {  	[sflag:s23] =	ssyncset.done $0x0  }
0xa5: {  	s25 =	simm.s32 $0x1B8E;
	s24 =	sld [smem:$0x3FFE];
	[sflag:s23] =	ssyncadd.s32 $0xFFFFFFFF  }
0xa6: {  	s26 =	simm.s32 $execute0_lowered;
	[smem:$0x3FD2] =	sst s25  }
0xa7: {  	s6 =	sshll.u32 s26, $0x1;
	_ =	strace $0x80000049;
	[dreg:$0x1] =	wrdreg $0xFFFFFFFF  }
0xa8: {  	s28 =	simm.s32 $_size_execute0_lowered;
	s4 =	sadd.s32 s4, s6;
	[dreg:$0x0] =	wrdreg $0x0  }
0xa9: {  	s6 =	sshll.u32 s28, $0x1;
	[dreg:$0x2] =	wrdreg s4  }
0xaa: {  	[dreg:$0x3] =	wrdreg s6  }
0xab: {  	[dreg:$0x4] =	wrdreg $0xC0  }
0xac: {  	_ =	task [dreg:s8], $0x5FFFF  }
0xad: {  	[dreg:$0x1] =	wrdreg $0xFFFFFFFF  }
0xae: {  	[dreg:$0x0] =	wrdreg $0x60  }
0xaf: {  	[dreg:$0x2] =	wrdreg s24  }
0xb0: {  	[dreg:$0x3] =	wrdreg s2  }
0xb1: {  	[dreg:$0x4] =	wrdreg s18  }
0xb2: {  	[dreg:$0x5] =	wrdreg $0x9  }
0xb3: {  	_ =	task.clear_ibuf [dreg:s8], $0x6FFFF;
	_ =	strace $0x90000049  }
0xb4: {  	s29 =	simm.s32 $0x9;
	_ =	strace $0x8000004B  }
0xb5: {  	_ =	swait.ge [sflag:s29], $0x1  }
0xb6: {  	[sflag:s29] =	ssyncadd.s32 $0xFFFFFFFF  }
0xb7: {  	_ =	strace $0x9000004B  }
0xb8: {  	_ =	sfence  }
0xb9: {  	s30 =	sld [smem:$0x0];
	_ =	sdelay $0x2  }
0xba: {  	s31 =	sshll.u32 s1, $0xD;
	s1 =	sshrl.u32 s1, $0x2  }
0xbb: {  	s3 =	sand.u32 $0x4000, s31;
	s1 =	sadd.s32 s1, s30  }
0xbc: {  	s0 =	sor.u32 s3, s0;
	s1 =	sshll.u32 s1, $0x11  }
0xbd: {  	s0 =	sor.u32 s1, s0  }
0xbe: {  	s0 =	sadd.s32 $0x8F2B, s0  }
0xbf: {  	[sflag:s0] =	ssyncadd.remote.s32 $0x1  }
0xc0: {  	_ =	sfence.sel $0xFFFF  }
0xc1: {  	[dreg:$0x0] =	wrdreg $0xFFFFFFFF;
	(pc) =	sbr.abs _section_cstart, $3  }
0xc2: {  	[dreg:$0x1] =	wrdreg $0xFFFFFFFF  }
0xc3: {  	_ =	task.clear_ibuf [dreg:s8], $0x2FFFF;
	_ =	strace $0x9FFFFFFF  }
0xc4: {  	(tm) =	ssettm $0x7FFFFFFF  }
0xc5: {  	_ =	shalt  }
tec
execute0_lowered:
.L_overlay_start_1:
0x0: {  	(tag) =	ssettag $0x1  }
0x1: {  	s7 =	rddreg [dreg:$0x0]  }
0x2: {  	s4 =	rddreg [dreg:$0x1]  }
0x3: {  	s11 =	rddreg [dreg:$0x2]  }
0x4: {  	s0 =	rddreg [dreg:$0x3];
	s2 =	simm.s32 $0x0  }
0x5: {  	[smem:$0x7FF] =	sst s2  }
0x6: {  	s3 =	simm.s32 $0x1;
	s5 =	sadd.s32 $0x600, s7;
	_ =	strace $0x8000004A  }
0x7: {  	[tilespmem:s2], [sflag:$0x1] =	stream.linear.gather [hbm4b:s5+s2], $0x2000, $0x38;
	[tilespmem:$0x2380] =	vst v63  }
0x8: {  	s6 =	srdreg.scid;
	s1 =	stileid.u32;
	_ =	swait.ge [sflag:s3], $0x2000  }
0x9: {  	s13 =	sand.u32 $0x1, s6;
	s8 =	sshll.u32 s1, $0x6;
	[sflag:s3] =	ssyncset.done $0x0  }
0xa: {  	s6 =	simm.s32 $0x2000;
	s9 =	sshll.u32 s13, $0x5;
	[sflag:s3] =	ssyncadd.s32 $0xFFFFE000  }
0xb: {  	[tilespmem:s6], [sflag:$0x1] =	stream.linear.gather [hbm4b:s4+s2], $0x80, $0x38;
	[tilespmem:$0x2380] =	vst v63  }
0xc: {  	s12 =	sor.u32 s9, s8;
	_ =	swait.ge [sflag:s3], $0x80  }
0xd: {  	s9 =	sadd.s32 s12, s7;
	[sflag:s3] =	ssyncset.done $0x0  }
0xe: {  	s8 =	simm.s32 $0x2080;
	s7 =	sadd.s32 $0xC0600, s9;
	[sflag:s3] =	ssyncadd.s32 $0xFFFFFF80  }
0xf: {  	[tilespmem:s8], [sflag:$0x1] =	stream.linear.gather [hbm4b:s7+s2], $0x100, $0x38;
	[tilespmem:$0x2380] =	vst v63  }
0x10: {  	_ =	swait.ge [sflag:s3], $0x100  }
0x11: {  	[sflag:s3] =	ssyncset.done $0x0  }
0x12: {  	s10 =	simm.s32 $0x2180;
	s9 =	sadd.s32 $0x200, s9;
	[sflag:s3] =	ssyncadd.s32 $0xFFFFFF00  }
0x13: {  	[tilespmem:s10], [sflag:$0x1] =	stream.linear.gather [hbm4b:s9+s2], $0x100, $0x38;
	[tilespmem:$0x2380] =	vst v63  }
0x14: {  	_ =	swait.ge [sflag:s3], $0x100  }
0x15: {  	[sflag:s3] =	ssyncset.done $0x0  }
0x16: {  	[sflag:s3] =	ssyncadd.s32 $0xFFFFFF00  }
0x17: {  	v0 =	vld [tilespmem:$0x2080]  }
0x18: {  	v1 =	vld [tilespmem:$0x2180];
	_ =	sdelay $0x5  }
0x19: {  	v2 =	vld [tilespmem:$0x2090]  }
0x1a: {  	v0 =	vld.idx.msk [tilespmem:v0+s2+$0x0], $0xffff  }
0x1b: {  	v1 =	vld.idx.msk [tilespmem:v1+s6+$0x0], $0xffff  }
0x1c: {  	v3 =	vld [tilespmem:$0x2190];
	_ =	sdelay $0x3  }
0x1d: {  	v0 =	vadd.f32 v1, v0;
	_ =	sdelay $0x1  }
0x1e: {  	[tilespmem:$0x2280] =	vst v0  }
0x1f: {  	v0 =	vld.idx.msk [tilespmem:v2+s2+$0x0], $0xffff  }
0x20: {  	v1 =	vld.idx.msk [tilespmem:v3+s6+$0x0], $0xffff  }
0x21: {  	v2 =	vld [tilespmem:$0x20A0]  }
0x22: {  	v3 =	vld [tilespmem:$0x21A0];
	_ =	sdelay $0x3  }
0x23: {  	v0 =	vadd.f32 v1, v0;
	_ =	sdelay $0x1  }
0x24: {  	[tilespmem:$0x2290] =	vst v0  }
0x25: {  	v0 =	vld.idx.msk [tilespmem:v2+s2+$0x0], $0xffff  }
0x26: {  	v1 =	vld.idx.msk [tilespmem:v3+s6+$0x0], $0xffff  }
0x27: {  	v2 =	vld [tilespmem:$0x20B0]  }
0x28: {  	v3 =	vld [tilespmem:$0x21B0];
	_ =	sdelay $0x3  }
0x29: {  	v0 =	vadd.f32 v1, v0;
	_ =	sdelay $0x1  }
0x2a: {  	[tilespmem:$0x22A0] =	vst v0  }
0x2b: {  	v0 =	vld.idx.msk [tilespmem:v2+s2+$0x0], $0xffff  }
0x2c: {  	v1 =	vld.idx.msk [tilespmem:v3+s6+$0x0], $0xffff  }
0x2d: {  	v2 =	vld [tilespmem:$0x20C0]  }
0x2e: {  	v3 =	vld [tilespmem:$0x21C0];
	_ =	sdelay $0x3  }
0x2f: {  	v0 =	vadd.f32 v1, v0;
	_ =	sdelay $0x1  }
0x30: {  	[tilespmem:$0x22B0] =	vst v0  }
0x31: {  	v0 =	vld.idx.msk [tilespmem:v2+s2+$0x0], $0xffff  }
0x32: {  	v1 =	vld.idx.msk [tilespmem:v3+s6+$0x0], $0xffff  }
0x33: {  	v2 =	vld [tilespmem:$0x20D0]  }
0x34: {  	v3 =	vld [tilespmem:$0x21D0];
	_ =	sdelay $0x3  }
0x35: {  	v0 =	vadd.f32 v1, v0;
	_ =	sdelay $0x1  }
0x36: {  	[tilespmem:$0x22C0] =	vst v0  }
0x37: {  	v0 =	vld.idx.msk [tilespmem:v2+s2+$0x0], $0xffff  }
0x38: {  	v1 =	vld.idx.msk [tilespmem:v3+s6+$0x0], $0xffff  }
0x39: {  	v2 =	vld [tilespmem:$0x20E0]  }
0x3a: {  	v3 =	vld [tilespmem:$0x21E0];
	_ =	sdelay $0x3  }
0x3b: {  	v0 =	vadd.f32 v1, v0;
	_ =	sdelay $0x1  }
0x3c: {  	[tilespmem:$0x22D0] =	vst v0  }
0x3d: {  	v0 =	vld.idx.msk [tilespmem:v2+s2+$0x0], $0xffff  }
0x3e: {  	v1 =	vld.idx.msk [tilespmem:v3+s6+$0x0], $0xffff  }
0x3f: {  	v2 =	vld [tilespmem:$0x20F0]  }
0x40: {  	v3 =	vld [tilespmem:$0x21F0];
	_ =	sdelay $0x3  }
0x41: {  	v0 =	vadd.f32 v1, v0;
	_ =	sdelay $0x1  }
0x42: {  	[tilespmem:$0x22E0] =	vst v0  }
0x43: {  	v0 =	vld.idx.msk [tilespmem:v2+s2+$0x0], $0xffff  }
0x44: {  	v1 =	vld.idx.msk [tilespmem:v3+s6+$0x0], $0xffff  }
0x45: {  	v2 =	vld [tilespmem:$0x2100]  }
0x46: {  	v3 =	vld [tilespmem:$0x2200];
	_ =	sdelay $0x3  }
0x47: {  	v0 =	vadd.f32 v1, v0;
	_ =	sdelay $0x1  }
0x48: {  	[tilespmem:$0x22F0] =	vst v0  }
0x49: {  	v0 =	vld.idx.msk [tilespmem:v2+s2+$0x0], $0xffff  }
0x4a: {  	v1 =	vld.idx.msk [tilespmem:v3+s6+$0x0], $0xffff  }
0x4b: {  	v2 =	vld [tilespmem:$0x2110]  }
0x4c: {  	v3 =	vld [tilespmem:$0x2210];
	_ =	sdelay $0x3  }
0x4d: {  	v0 =	vadd.f32 v1, v0;
	_ =	sdelay $0x1  }
0x4e: {  	[tilespmem:$0x2300] =	vst v0  }
0x4f: {  	v0 =	vld.idx.msk [tilespmem:v2+s2+$0x0], $0xffff  }
0x50: {  	v1 =	vld.idx.msk [tilespmem:v3+s6+$0x0], $0xffff  }
0x51: {  	v2 =	vld [tilespmem:$0x2120]  }
0x52: {  	v3 =	vld [tilespmem:$0x2220];
	_ =	sdelay $0x3  }
0x53: {  	v0 =	vadd.f32 v1, v0;
	_ =	sdelay $0x1  }
0x54: {  	[tilespmem:$0x2310] =	vst v0  }
0x55: {  	v0 =	vld.idx.msk [tilespmem:v2+s2+$0x0], $0xffff  }
0x56: {  	v1 =	vld.idx.msk [tilespmem:v3+s6+$0x0], $0xffff  }
0x57: {  	v2 =	vld [tilespmem:$0x2130]  }
0x58: {  	v3 =	vld [tilespmem:$0x2230];
	_ =	sdelay $0x3  }
0x59: {  	v0 =	vadd.f32 v1, v0;
	_ =	sdelay $0x1  }
0x5a: {  	[tilespmem:$0x2320] =	vst v0  }
0x5b: {  	v0 =	vld.idx.msk [tilespmem:v2+s2+$0x0], $0xffff  }
0x5c: {  	v1 =	vld.idx.msk [tilespmem:v3+s6+$0x0], $0xffff  }
0x5d: {  	v2 =	vld [tilespmem:$0x2140]  }
0x5e: {  	v3 =	vld [tilespmem:$0x2240];
	_ =	sdelay $0x3  }
0x5f: {  	v0 =	vadd.f32 v1, v0;
	_ =	sdelay $0x1  }
0x60: {  	[tilespmem:$0x2330] =	vst v0  }
0x61: {  	v0 =	vld.idx.msk [tilespmem:v2+s2+$0x0], $0xffff  }
0x62: {  	v1 =	vld.idx.msk [tilespmem:v3+s6+$0x0], $0xffff  }
0x63: {  	v2 =	vld [tilespmem:$0x2150]  }
0x64: {  	v3 =	vld [tilespmem:$0x2250];
	_ =	sdelay $0x3  }
0x65: {  	v0 =	vadd.f32 v1, v0;
	_ =	sdelay $0x1  }
0x66: {  	[tilespmem:$0x2340] =	vst v0  }
0x67: {  	v0 =	vld.idx.msk [tilespmem:v2+s2+$0x0], $0xffff  }
0x68: {  	v1 =	vld.idx.msk [tilespmem:v3+s6+$0x0], $0xffff  }
0x69: {  	v2 =	vld [tilespmem:$0x2160]  }
0x6a: {  	s13 =	ssub.s32 $0x2, s13;
	v3 =	vld [tilespmem:$0x2260]  }
0x6b: {  	s14 =	sshrl.u32 s13, $0x1  }
0x6c: {  	s13 =	ssub.s32 s13, s14  }
0x6d: {  	s13 =	smax.u32 s13, $0x1  }
0x6e: {  	p0 =	sne.s32 s13, $0x1;
	v0 =	vadd.f32 v1, v0  }
.Ltmp0:
0x6f: {  	_ = 	snop;
	(pc) =	sbr.rel @!p0 .LBB2_2-.Ltmp0, $4  }
0x70: {  	[tilespmem:$0x2350] =	vst v0;
	v0 =	vld [tilespmem:$0x2270]  }
0x71: {  	v1 =	vld.idx.msk [tilespmem:v2+s2+$0x0], $0xffff  }
0x72: {  	v3 =	vld.idx.msk [tilespmem:v3+s6+$0x0], $0xffff  }
0x73: {  	s11 =	sadd.s32 s11, s12;
	s12 =	simm.s32 $0x2280;
	s13 =	sadd.s32 $0xFFFFFFFF, s13;
	v2 =	vld [tilespmem:$0x2170]  }
.LBB2_1:
0x74: {  	_ =	sdelay $0x3  }
0x75: {  	p0 =	sne.s32 s13, $0x1;
	s13 =	sadd.s32 $0xFFFFFFFF, s13;
	v1 =	vadd.f32 v3, v1;
	_ =	sdelay $0x1  }
0x76: {  	[tilespmem:$0x2360] =	vst v1  }
0x77: {  	v1 =	vld.idx.msk [tilespmem:v2+s2+$0x0], $0xffff  }
0x78: {  	v0 =	vld.idx.msk [tilespmem:v0+s6+$0x0], $0xffff;
	_ =	sdelay $0x5  }
0x79: {  	v0 =	vadd.f32 v0, v1;
	_ =	sdelay $0x1  }
0x7a: {  	[tilespmem:$0x2370] =	vst v0  }
0x7b: {  	[hbm4b:s11+s2] =	stream.linear.scatter [tilespmem:s12], [sflag:$0x1], $0x100, $0x38;
	[tilespmem:$0x2380] =	vst v63  }
0x7c: {  	_ =	swait.ge [sflag:s3], $0x100  }
0x7d: {  	[sflag:s3] =	ssyncset.done $0x0  }
0x7e: {  	[sflag:s3] =	ssyncadd.s32 $0xFFFFFF00  }
0x7f: {  	[tilespmem:s2], [sflag:$0x1] =	stream.linear.gather [hbm4b:s5+s2], $0x2000, $0x38;
	[tilespmem:$0x2380] =	vst v63  }
0x80: {  	_ =	swait.ge [sflag:s3], $0x2000  }
0x81: {  	[sflag:s3] =	ssyncset.done $0x0  }
0x82: {  	[sflag:s3] =	ssyncadd.s32 $0xFFFFE000  }
0x83: {  	[tilespmem:s6], [sflag:$0x1] =	stream.linear.gather [hbm4b:s4+s2], $0x80, $0x38;
	[tilespmem:$0x2380] =	vst v63  }
0x84: {  	_ =	swait.ge [sflag:s3], $0x80  }
0x85: {  	[sflag:s3] =	ssyncset.done $0x0  }
0x86: {  	[sflag:s3] =	ssyncadd.s32 $0xFFFFFF80  }
0x87: {  	[tilespmem:s8], [sflag:$0x1] =	stream.linear.gather [hbm4b:s7+s2], $0x100, $0x38;
	[tilespmem:$0x2380] =	vst v63  }
0x88: {  	_ =	swait.ge [sflag:s3], $0x100  }
0x89: {  	[sflag:s3] =	ssyncset.done $0x0  }
0x8a: {  	[sflag:s3] =	ssyncadd.s32 $0xFFFFFF00  }
0x8b: {  	[tilespmem:s10], [sflag:$0x1] =	stream.linear.gather [hbm4b:s9+s2], $0x100, $0x38;
	[tilespmem:$0x2380] =	vst v63  }
0x8c: {  	_ =	swait.ge [sflag:s3], $0x100  }
0x8d: {  	[sflag:s3] =	ssyncset.done $0x0  }
0x8e: {  	[sflag:s3] =	ssyncadd.s32 $0xFFFFFF00  }
0x8f: {  	v0 =	vld [tilespmem:$0x2080]  }
0x90: {  	v1 =	vld [tilespmem:$0x2180];
	_ =	sdelay $0x5  }
0x91: {  	v2 =	vld [tilespmem:$0x2190]  }
0x92: {  	v0 =	vld.idx.msk [tilespmem:v0+s2+$0x0], $0xffff  }
0x93: {  	v1 =	vld.idx.msk [tilespmem:v1+s6+$0x0], $0xffff  }
0x94: {  	v3 =	vld [tilespmem:$0x2090];
	_ =	sdelay $0x4  }
0x95: {  	v0 =	vadd.f32 v1, v0;
	_ =	sdelay $0x1  }
0x96: {  	[tilespmem:$0x2280] =	vst v0;
	v0 =	vld [tilespmem:$0x21A0]  }
0x97: {  	v1 =	vld.idx.msk [tilespmem:v3+s2+$0x0], $0xffff  }
0x98: {  	v2 =	vld.idx.msk [tilespmem:v2+s6+$0x0], $0xffff  }
0x99: {  	v3 =	vld [tilespmem:$0x20A0];
	_ =	sdelay $0x4  }
0x9a: {  	v1 =	vadd.f32 v2, v1;
	_ =	sdelay $0x1  }
0x9b: {  	[tilespmem:$0x2290] =	vst v1;
	v1 =	vld [tilespmem:$0x21B0]  }
0x9c: {  	v2 =	vld.idx.msk [tilespmem:v3+s2+$0x0], $0xffff  }
0x9d: {  	v0 =	vld.idx.msk [tilespmem:v0+s6+$0x0], $0xffff  }
0x9e: {  	v3 =	vld [tilespmem:$0x20B0];
	_ =	sdelay $0x4  }
0x9f: {  	v0 =	vadd.f32 v0, v2;
	_ =	sdelay $0x1  }
0xa0: {  	[tilespmem:$0x22A0] =	vst v0;
	v0 =	vld [tilespmem:$0x21C0]  }
0xa1: {  	v2 =	vld.idx.msk [tilespmem:v3+s2+$0x0], $0xffff  }
0xa2: {  	v1 =	vld.idx.msk [tilespmem:v1+s6+$0x0], $0xffff  }
0xa3: {  	v3 =	vld [tilespmem:$0x20C0];
	_ =	sdelay $0x4  }
0xa4: {  	v1 =	vadd.f32 v1, v2;
	_ =	sdelay $0x1  }
0xa5: {  	[tilespmem:$0x22B0] =	vst v1;
	v1 =	vld [tilespmem:$0x21D0]  }
0xa6: {  	v2 =	vld.idx.msk [tilespmem:v3+s2+$0x0], $0xffff  }
0xa7: {  	v0 =	vld.idx.msk [tilespmem:v0+s6+$0x0], $0xffff  }
0xa8: {  	v3 =	vld [tilespmem:$0x20D0];
	_ =	sdelay $0x4  }
0xa9: {  	v0 =	vadd.f32 v0, v2;
	_ =	sdelay $0x1  }
0xaa: {  	[tilespmem:$0x22C0] =	vst v0;
	v0 =	vld [tilespmem:$0x21E0]  }
0xab: {  	v2 =	vld.idx.msk [tilespmem:v3+s2+$0x0], $0xffff  }
0xac: {  	v1 =	vld.idx.msk [tilespmem:v1+s6+$0x0], $0xffff  }
0xad: {  	v3 =	vld [tilespmem:$0x20E0];
	_ =	sdelay $0x4  }
0xae: {  	v1 =	vadd.f32 v1, v2;
	_ =	sdelay $0x1  }
0xaf: {  	[tilespmem:$0x22D0] =	vst v1;
	v1 =	vld [tilespmem:$0x21F0]  }
0xb0: {  	v2 =	vld.idx.msk [tilespmem:v3+s2+$0x0], $0xffff  }
0xb1: {  	v0 =	vld.idx.msk [tilespmem:v0+s6+$0x0], $0xffff  }
0xb2: {  	v3 =	vld [tilespmem:$0x20F0];
	_ =	sdelay $0x4  }
0xb3: {  	v0 =	vadd.f32 v0, v2;
	_ =	sdelay $0x1  }
0xb4: {  	[tilespmem:$0x22E0] =	vst v0;
	v0 =	vld [tilespmem:$0x2200]  }
0xb5: {  	v2 =	vld.idx.msk [tilespmem:v3+s2+$0x0], $0xffff  }
0xb6: {  	v1 =	vld.idx.msk [tilespmem:v1+s6+$0x0], $0xffff  }
0xb7: {  	v3 =	vld [tilespmem:$0x2100];
	_ =	sdelay $0x4  }
0xb8: {  	v1 =	vadd.f32 v1, v2;
	_ =	sdelay $0x1  }
0xb9: {  	[tilespmem:$0x22F0] =	vst v1;
	v1 =	vld [tilespmem:$0x2210]  }
0xba: {  	v2 =	vld.idx.msk [tilespmem:v3+s2+$0x0], $0xffff  }
0xbb: {  	v0 =	vld.idx.msk [tilespmem:v0+s6+$0x0], $0xffff  }
0xbc: {  	v3 =	vld [tilespmem:$0x2110];
	_ =	sdelay $0x4  }
0xbd: {  	v0 =	vadd.f32 v0, v2;
	_ =	sdelay $0x1  }
0xbe: {  	[tilespmem:$0x2300] =	vst v0;
	v0 =	vld [tilespmem:$0x2220]  }
0xbf: {  	v2 =	vld.idx.msk [tilespmem:v3+s2+$0x0], $0xffff  }
0xc0: {  	v1 =	vld.idx.msk [tilespmem:v1+s6+$0x0], $0xffff  }
0xc1: {  	v3 =	vld [tilespmem:$0x2120];
	_ =	sdelay $0x4  }
0xc2: {  	v1 =	vadd.f32 v1, v2;
	_ =	sdelay $0x1  }
0xc3: {  	[tilespmem:$0x2310] =	vst v1;
	v1 =	vld [tilespmem:$0x2230]  }
0xc4: {  	v2 =	vld.idx.msk [tilespmem:v3+s2+$0x0], $0xffff  }
0xc5: {  	v0 =	vld.idx.msk [tilespmem:v0+s6+$0x0], $0xffff  }
0xc6: {  	v3 =	vld [tilespmem:$0x2130];
	_ =	sdelay $0x4  }
0xc7: {  	v0 =	vadd.f32 v0, v2;
	_ =	sdelay $0x1  }
0xc8: {  	[tilespmem:$0x2320] =	vst v0;
	v0 =	vld [tilespmem:$0x2240]  }
0xc9: {  	v2 =	vld.idx.msk [tilespmem:v3+s2+$0x0], $0xffff  }
0xca: {  	v1 =	vld.idx.msk [tilespmem:v1+s6+$0x0], $0xffff  }
0xcb: {  	v3 =	vld [tilespmem:$0x2140];
	_ =	sdelay $0x4  }
0xcc: {  	v1 =	vadd.f32 v1, v2;
	_ =	sdelay $0x1  }
0xcd: {  	[tilespmem:$0x2330] =	vst v1;
	v1 =	vld [tilespmem:$0x2250]  }
0xce: {  	v2 =	vld.idx.msk [tilespmem:v3+s2+$0x0], $0xffff  }
0xcf: {  	v0 =	vld.idx.msk [tilespmem:v0+s6+$0x0], $0xffff  }
0xd0: {  	v3 =	vld [tilespmem:$0x2150];
	_ =	sdelay $0x4  }
0xd1: {  	v0 =	vadd.f32 v0, v2;
	_ =	sdelay $0x1  }
0xd2: {  	[tilespmem:$0x2340] =	vst v0;
	v2 =	vld [tilespmem:$0x2260]  }
0xd3: {  	v0 =	vld.idx.msk [tilespmem:v3+s2+$0x0], $0xffff  }
0xd4: {  	v1 =	vld.idx.msk [tilespmem:v1+s6+$0x0], $0xffff  }
0xd5: {  	v3 =	vld [tilespmem:$0x2160];
	_ =	sdelay $0x4  }
0xd6: {  	v0 =	vadd.f32 v1, v0  }
.Ltmp1:
0xd7: {  	(pc) =	sbr.rel @p0 .LBB2_1-.Ltmp1, $4  }
0xd8: {  	[tilespmem:$0x2350] =	vst v0;
	v0 =	vld [tilespmem:$0x2270]  }
0xd9: {  	v1 =	vld.idx.msk [tilespmem:v3+s2+$0x0], $0xffff  }
0xda: {  	v3 =	vld.idx.msk [tilespmem:v2+s6+$0x0], $0xffff  }
0xdb: {  	v2 =	vld [tilespmem:$0x2170]  }
.LBB2_2:
0xdc: {  	_ =	sdelay $0x4  }
0xdd: {  	v1 =	vadd.f32 v3, v1;
	_ =	sdelay $0x1  }
0xde: {  	[tilespmem:$0x2360] =	vst v1  }
0xdf: {  	v1 =	vld.idx.msk [tilespmem:v2+s2+$0x0], $0xffff  }
0xe0: {  	v0 =	vld.idx.msk [tilespmem:v0+s6+$0x0], $0xffff;
	_ =	sdelay $0x4  }
0xe1: {  	v0 =	vadd.f32 v0, v1;
	_ =	sdelay $0x1  }
0xe2: {  	[tilespmem:$0x2370] =	vst v0  }
0xe3: {  	[hbm4b:s11+s2] =	stream.linear.scatter [tilespmem:s12], [sflag:$0x1], $0x100, $0x38;
	[tilespmem:$0x2380] =	vst v63  }
0xe4: {  	_ =	swait.ge [sflag:s3], $0x100  }
0xe5: {  	[sflag:s3] =	ssyncset.done $0x0  }
0xe6: {  	[sflag:s3] =	ssyncadd.s32 $0xFFFFFF00  }
0xe7: {  	_ =	sfence.sel $0x180000  }
0xe8: {  	[bflag:$0x0] =	sbarrier.arrive $0xFFFF  }
0xe9: {  	p0 =	sne.s32 s1, $0x0;
	_ =	strace $0x9000004A  }
0xea: {  	s0 =	sadd.s32 @!p0 $0x100000, s0;
	[bflag:$0x2] =	sbarrier.arrive $0xFFFF  }
0xeb: {  	[sflag:s0] =	ssyncadd.tile.s32 @!p0 $0x1;
	_ =	shalt  }
.Lfunc_end2:
_tile_overlayer_lowered:
.L_overlay_start_2:
0xec: {  	(tag) =	ssettag $0x2  }
0xed: {  	s0 =	rddreg [dreg:$0x0];
	s2 =	stileid.u32  }
0xee: {  	s1 =	rddreg [dreg:$0x1];
	p0 =	sne.s32 s2, $0x0  }
0xef: {  	s3 =	rddreg [dreg:$0x2];
	[bflag:$0x3] =	sbarrier.arrive $0xFFFF;
	s2 =	simm.s32 @!p0 $0x1C01  }
0xf0: {  	[timem:s3], [sflag:s2] =	dma.local @!p0 [hbm:s0], s1  }
0xf1: {  	s0 =	simm.s32 @!p0 $0x1  }
0xf2: {  	_ =	swait.ge @!p0 [sflag:s0], s1  }
0xf3: {  	s1 =	ssub.s32 @!p0 $0x0, s1;
	[sflag:s0] =	ssyncset.done @!p0 $0x0  }
0xf4: {  	[sflag:s0] =	ssyncadd.s32 @!p0 s1  }
0xf5: {  	[bflag:$0x3] =	sbarrier.arrive $0xFFFF  }
0xf6: {  	_ =	shalt  }

</sc_bundles>
